<compile_context>
chip_gen: v7x
topology: tpu7x:2x2x1
jax: 0.10.2.dev20260603
libtpu: 0.0.44.dev20260713+nightly
codegen_flags: <defaults>
</compile_context>

<pallas_src>
import functools

import jax
import jax.numpy as jnp
from jax import lax
from jax.experimental import pallas as pl
from jax.experimental.pallas import tpu as pltpu
from jax.experimental.pallas import tpu_sc as plsc

N = 10000
E = 320000
NC = 2
NS = 16
NW = NC * NS
K = 128
NLOOP = 80
EPW = NLOOP * K
EPAD = EPW * NW
NP = 10112
RPT = NP // NS
DEGP = 16 * 640
DUMMY = N

_MESH = plsc.VectorSubcoreMesh(core_axis_name="c", subcore_axis_name="s")


def _make_deg_kernel():
  @functools.partial(
      pl.kernel,
      out_type=[jax.ShapeDtypeStruct((DEGP,), jnp.float32)] * 2,
      mesh=_MESH,
      scratch_types=[
          pltpu.VMEM((NLOOP, K), jnp.int32),
          pltpu.VMEM((K,), jnp.float32),
          pltpu.VMEM((640,), jnp.float32),
          pltpu.VMEM_SHARED((DEGP,), jnp.float32),
      ],
  )
  def deg_kernel(dst_hbm, out0, out1, dst_all, ones_v, bounce_v, deg_sh):
    cid = lax.axis_index("c")
    sid = lax.axis_index("s")
    w = cid * NS + sid
    r0 = sid * 640
    pltpu.sync_copy(dst_hbm.at[w], dst_all)
    for j in range(640 // 16):
      bounce_v[pl.ds(j * 16, 16)] = jnp.zeros((16,), jnp.float32)
    pltpu.sync_copy(bounce_v, deg_sh.at[pl.ds(r0, 640)])
    for j in range(K // 16):
      ones_v[pl.ds(j * 16, 16)] = jnp.ones((16,), jnp.float32)
    plsc.subcore_barrier()

    def body(i, carry):
      pltpu.sync_copy(ones_v, deg_sh.at[dst_all.at[i]], add=True)
      return carry

    lax.fori_loop(0, NLOOP, body, 0)
    plsc.subcore_barrier()

    pltpu.sync_copy(deg_sh.at[pl.ds(r0, 640)], bounce_v)

    @pl.when(cid == 0)
    def _():
      pltpu.sync_copy(bounce_v, out0.at[pl.ds(r0, 640)])

    @pl.when(cid != 0)
    def _():
      pltpu.sync_copy(bounce_v, out1.at[pl.ds(r0, 640)])

  return deg_kernel


def _make_edge_kernel(D, untiled=False, nphase=2):

  params = pltpu.CompilerParams(use_tc_tiling_on_sc=False) if untiled else None
  NH = NLOOP // nphase
  NG = NH // 2

  @functools.partial(
      pl.kernel,
      out_type=[jax.ShapeDtypeStruct((NP, D), jnp.float32)] * 2,
      mesh=_MESH,
      compiler_params=params,
      scratch_types=[
          pltpu.VMEM((NH, K), jnp.int32),
          pltpu.VMEM((NH, K), jnp.int32),
          pltpu.VMEM((K, D), jnp.float32),
          pltpu.VMEM((K, D), jnp.float32),
          pltpu.VMEM_SHARED((NP, D), jnp.float32),
          pltpu.SemaphoreType.DMA,
          pltpu.SemaphoreType.DMA,
      ],
  )
  def edge_kernel(src_hbm, dst_hbm, h_hbm, z_hbm, out0, out1,
                  src_all, dst_all, buf_a, buf_b, acc_sh, sem_a, sem_b):
    cid = lax.axis_index("c")
    sid = lax.axis_index("s")
    w = cid * NS + sid
    r0 = sid * RPT

    pltpu.async_copy(src_hbm.at[w, pl.ds(0, NH)], src_all, sem_a)
    pltpu.async_copy(dst_hbm.at[w, pl.ds(0, NH)], dst_all, sem_b)

    @pl.when(cid == 0)
    def _():
      pltpu.sync_copy(h_hbm.at[pl.ds(r0, RPT)], acc_sh.at[pl.ds(r0, RPT)])

    @pl.when(cid != 0)
    def _():
      pltpu.sync_copy(z_hbm.at[pl.ds(r0, RPT)], acc_sh.at[pl.ds(r0, RPT)])

    pltpu.make_async_copy(src_hbm.at[w, pl.ds(0, NH)], src_all, sem_a).wait()
    pltpu.make_async_copy(dst_hbm.at[w, pl.ds(0, NH)], dst_all, sem_b).wait()
    plsc.subcore_barrier()

    for ph in range(nphase):
      if ph > 0:
        pltpu.sync_copy(src_hbm.at[w, pl.ds(ph * NH, NH)], src_all)
        pltpu.sync_copy(dst_hbm.at[w, pl.ds(ph * NH, NH)], dst_all)
      pltpu.async_copy(h_hbm.at[src_all.at[0]], buf_a, sem_a)

      def body(g, carry):
        i0 = 2 * g
        i1 = i0 + 1
        pltpu.async_copy(h_hbm.at[src_all.at[i1]], buf_b, sem_b)
        pltpu.make_async_copy(h_hbm.at[pl.ds(0, K)], buf_a, sem_a).wait()
        pltpu.sync_copy(buf_a, acc_sh.at[dst_all.at[i0]], add=True)

        @pl.when(g < NG - 1)
        def _():
          pltpu.async_copy(h_hbm.at[src_all.at[i0 + 2]], buf_a, sem_a)

        pltpu.make_async_copy(h_hbm.at[pl.ds(0, K)], buf_b, sem_b).wait()
        pltpu.sync_copy(buf_b, acc_sh.at[dst_all.at[i1]], add=True)
        return carry

      lax.fori_loop(0, NG, body, 0)
    plsc.subcore_barrier()

    @pl.when(cid == 0)
    def _():
      pltpu.sync_copy(acc_sh.at[pl.ds(r0, RPT)], out0.at[pl.ds(r0, RPT)])

    @pl.when(cid != 0)
    def _():
      pltpu.sync_copy(acc_sh.at[pl.ds(r0, RPT)], out1.at[pl.ds(r0, RPT)])

  return edge_kernel


_deg_call = _make_deg_kernel()
_edge128 = _make_edge_kernel(128)
_edge64 = _make_edge_kernel(64, untiled=True, nphase=1)


RB = 512
GRID = (N + RB - 1) // RB


def _tc_scale_matmul(x, W, deg0, deg1):
  D_in, D_out = W.shape

  def body(x_ref, w_ref, d0_ref, d1_ref, o_ref):
    dinv = lax.rsqrt(d0_ref[...] + d1_ref[...] + 1.0)
    h = jnp.dot(x_ref[...], w_ref[...], preferred_element_type=jnp.float32)
    o_ref[...] = h * dinv[:, None]

  return pl.pallas_call(
      body,
      grid=(GRID,),
      in_specs=[
          pl.BlockSpec((RB, D_in), lambda i: (i, 0)),
          pl.BlockSpec((D_in, D_out), lambda i: (0, 0)),
          pl.BlockSpec((RB,), lambda i: (i,)),
          pl.BlockSpec((RB,), lambda i: (i,)),
      ],
      out_specs=pl.BlockSpec((RB, D_out), lambda i: (i, 0)),
      out_shape=jax.ShapeDtypeStruct((NP, D_out), jnp.float32),
  )(x, W, deg0, deg1)


def _tc_mid(a0, a1, deg0, deg1, b1, W2):
  D_in, D_out = W2.shape

  def body(a0_ref, a1_ref, d0_ref, d1_ref, b_ref, w_ref, o_ref):
    dinv = lax.rsqrt(d0_ref[...] + d1_ref[...] + 1.0)
    o1 = jnp.maximum((a0_ref[...] + a1_ref[...]) * dinv[:, None] + b_ref[...],
                     0.0)
    h2 = jnp.dot(o1, w_ref[...], preferred_element_type=jnp.float32)
    o_ref[...] = h2 * dinv[:, None]

  return pl.pallas_call(
      body,
      grid=(GRID,),
      in_specs=[
          pl.BlockSpec((RB, D_in), lambda i: (i, 0)),
          pl.BlockSpec((RB, D_in), lambda i: (i, 0)),
          pl.BlockSpec((RB,), lambda i: (i,)),
          pl.BlockSpec((RB,), lambda i: (i,)),
          pl.BlockSpec((1, D_in), lambda i: (0, 0)),
          pl.BlockSpec((D_in, D_out), lambda i: (0, 0)),
      ],
      out_specs=pl.BlockSpec((RB, D_out), lambda i: (i, 0)),
      out_shape=jax.ShapeDtypeStruct((NP, D_out), jnp.float32),
  )(a0, a1, deg0, deg1, b1, W2)


def _tc_final(a0, a1, deg0, deg1, b2):
  D = b2.shape[1]

  def body(a0_ref, a1_ref, d0_ref, d1_ref, b_ref, o_ref):
    dinv = lax.rsqrt(d0_ref[...] + d1_ref[...] + 1.0)
    o_ref[...] = (a0_ref[...] + a1_ref[...]) * dinv[:, None] + b_ref[...]

  return pl.pallas_call(
      body,
      grid=(GRID,),
      in_specs=[
          pl.BlockSpec((RB, D), lambda i: (i, 0)),
          pl.BlockSpec((RB, D), lambda i: (i, 0)),
          pl.BlockSpec((RB,), lambda i: (i,)),
          pl.BlockSpec((RB,), lambda i: (i,)),
          pl.BlockSpec((1, D), lambda i: (0, 0)),
      ],
      out_specs=pl.BlockSpec((RB, D), lambda i: (i, 0)),
      out_shape=jax.ShapeDtypeStruct((N, D), jnp.float32),
  )(a0, a1, deg0, deg1, b2)


@jax.jit
def kernel(x, edge_index, W1, b1, W2, b2):
  src = edge_index[0].astype(jnp.int32)
  dst = edge_index[1].astype(jnp.int32)
  npad = EPAD - E
  pad_i = jnp.arange(npad, dtype=jnp.int32)
  src_p = jnp.concatenate([src, pad_i % N]).reshape(NW, NLOOP, K)
  dst_p = jnp.concatenate(
      [dst, DUMMY + pad_i % (NP - N)]).reshape(NW, NLOOP, K)
  z128 = jnp.zeros((NP, 128), jnp.float32)
  z64 = jnp.zeros((NP, 64), jnp.float32)

  deg0, deg1 = _deg_call(dst_p)
  h1s = _tc_scale_matmul(x, W1, deg0, deg1)
  a10, a11 = _edge128(src_p, dst_p, h1s, z128)
  h2s = _tc_mid(a10, a11, deg0, deg1, b1.reshape(1, -1), W2)
  a20, a21 = _edge64(src_p, dst_p, h2s, z64)
  return _tc_final(a20, a21, deg0, deg1, b2.reshape(1, -1))

# --- scband reference (transcript-rebuilt; emitter-appended) ---
"""Pipeline reference for scband-graph-encoder-11751030522455 (READ-ONLY COPY).

The authoritative reference and input builder live on the scoring server;
editing this copy changes nothing except your own understanding.
"""

import jax, jax.numpy as jnp
import numpy as np

N_NODES = 10000
N_EDGES = 320000
IN_DIM = 128
HID_DIM = 128
EMB_DIM = 64


def gcn_conv(x, edge_index, W, b):
    # Faithful GCNConv: add self-loops, symmetric normalization D^{-1/2}(A+I)D^{-1/2} X W + b
    n = x.shape[0]
    loop = jnp.arange(n, dtype=edge_index.dtype)
    src = jnp.concatenate([edge_index[0], loop])
    dst = jnp.concatenate([edge_index[1], loop])
    h = x @ W
    ones = jnp.ones(src.shape[0], dtype=h.dtype)
    deg = jax.ops.segment_sum(ones, dst, num_segments=n)
    dinv = jnp.where(deg > 0, jax.lax.rsqrt(deg), 0.0)
    norm = dinv[src] * dinv[dst]
    msg = h[src] * norm[:, None]
    out = jax.ops.segment_sum(msg, dst, num_segments=n)
    return out + b


def setup_inputs(seed: int = 0) -> dict:
    key = jax.random.key(seed)
    k1, k2, k3, k4 = jax.random.split(key, 4)
    x = jax.random.normal(k1, (N_NODES, IN_DIM), dtype=jnp.float32)
    edge_index = jax.random.randint(k2, (2, N_EDGES), 0, N_NODES, dtype=jnp.int64)
    W1 = jax.random.normal(k3, (IN_DIM, HID_DIM), dtype=jnp.float32) * (1.0 / np.sqrt(IN_DIM))
    b1 = jnp.zeros((HID_DIM,), dtype=jnp.float32)
    W2 = jax.random.normal(k4, (HID_DIM, EMB_DIM), dtype=jnp.float32) * (1.0 / np.sqrt(HID_DIM))
    b2 = jnp.zeros((EMB_DIM,), dtype=jnp.float32)
    return {"x": x, "edge_index": edge_index, "W1": W1, "b1": b1, "W2": W2, "b2": b2}


def reference(x, edge_index, W1, b1, W2, b2):
    h = gcn_conv(x, edge_index, W1, b1)
    h = jax.nn.relu(h)
    out = gcn_conv(h, edge_index, W2, b2)
    return out

if __name__ == "__main__":
    import jax
    _d = setup_inputs()
    print(jax.jit(kernel)(*tuple(_d.values())))

</pallas_src>

<mosaic_0001>
#map = affine_map<(d0, d1) -> (0, 0, 0)>
#map1 = affine_map<(d0, d1) -> (0, 0)>
module attributes {stable_mosaic.version = 14 : i64} {
  func.func @edge_kernel(%arg0: i32, %arg1: i32, %arg2: memref<32x80x128xi32, #tpu.memory_space<hbm>>, %arg3: memref<32x80x128xi32, #tpu.memory_space<hbm>>, %arg4: memref<10112x128xf32, #tpu.memory_space<hbm>>, %arg5: memref<10112x128xf32, #tpu.memory_space<hbm>>, %arg6: memref<10112x128xf32, #tpu.memory_space<hbm>>, %arg7: memref<10112x128xf32, #tpu.memory_space<hbm>>, %arg8: memref<40x128xi32, #tpu.memory_space<vmem>>, %arg9: memref<40x128xi32, #tpu.memory_space<vmem>>, %arg10: memref<128x128xf32, #tpu.memory_space<vmem>>, %arg11: memref<128x128xf32, #tpu.memory_space<vmem>>, %arg12: memref<10112x128xf32, #tpu.memory_space<vmem_shared>>, %arg13: memref<!tpu.dma_semaphore, #tpu.memory_space<semaphore_mem>>, %arg14: memref<!tpu.dma_semaphore, #tpu.memory_space<semaphore_mem>>) attributes {dimension_semantics = [#tpu.dimension_semantics<core_parallel>, #tpu.dimension_semantics<subcore_parallel>], iteration_bounds = array<i64: 2, 16>, scalar_prefetch = 0 : i64, scratch_operands = 7 : i64, tpu.core_type = #tpu.core_type<sc_vector_subcore>, window_params = [{transform_indices = #map}, {transform_indices = #map}, {transform_indices = #map1}, {transform_indices = #map1}, {transform_indices = #map1}, {transform_indices = #map1}]} {
    %mul3A = arith.constant 16 : i32
    %mul3A_0 = arith.muli %arg0, %mul3A : i32
    %add3A = arith.addi %mul3A_0, %arg1 : i32
    %mul3A_1 = arith.constant 632 : i32
    %mul3A_2 = arith.muli %arg1, %mul3A_1 : i32
    %dma_start3A = arith.constant 0 : i32
    %dma_start3A_3 = arith.constant 0 : i32
    %dma_start3A_4 = tpu.memref_slice %arg2[%add3A, %dma_start3A, %dma_start3A_3] : memref<32x80x128xi32, #tpu.memory_space<hbm>> -> memref<1x40x128xi32, #tpu.memory_space<hbm>>
    %dma_start3A_5 = tpu.memref_squeeze %dma_start3A_4 : memref<1x40x128xi32, #tpu.memory_space<hbm>> -> memref<40x128xi32, #tpu.memory_space<hbm>>
    %dma_start3A_6 = arith.constant 0 : i32
    %dma_start3A_7 = arith.constant 0 : i32
    %dma_start3A_8 = tpu.memref_slice %arg2[%add3A, %dma_start3A_6, %dma_start3A_7] : memref<32x80x128xi32, #tpu.memory_space<hbm>> -> memref<1x40x128xi32, #tpu.memory_space<hbm>>
    %dma_start3A_9 = tpu.memref_squeeze %dma_start3A_8 : memref<1x40x128xi32, #tpu.memory_space<hbm>> -> memref<40x128xi32, #tpu.memory_space<hbm>>
    tpu.enqueue_dma source(%dma_start3A_9 : memref<40x128xi32, #tpu.memory_space<hbm>>) target(%arg8 : memref<40x128xi32, #tpu.memory_space<vmem>>) target_semaphore(%arg13 : memref<!tpu.dma_semaphore, #tpu.memory_space<semaphore_mem>>)
    %dma_start3A_10 = arith.constant 0 : i32
    %dma_start3A_11 = arith.constant 0 : i32
    %dma_start3A_12 = tpu.memref_slice %arg3[%add3A, %dma_start3A_10, %dma_start3A_11] : memref<32x80x128xi32, #tpu.memory_space<hbm>> -> memref<1x40x128xi32, #tpu.memory_space<hbm>>
    %dma_start3A_13 = tpu.memref_squeeze %dma_start3A_12 : memref<1x40x128xi32, #tpu.memory_space<hbm>> -> memref<40x128xi32, #tpu.memory_space<hbm>>
    %dma_start3A_14 = arith.constant 0 : i32
    %dma_start3A_15 = arith.constant 0 : i32
    %dma_start3A_16 = tpu.memref_slice %arg3[%add3A, %dma_start3A_14, %dma_start3A_15] : memref<32x80x128xi32, #tpu.memory_space<hbm>> -> memref<1x40x128xi32, #tpu.memory_space<hbm>>
    %dma_start3A_17 = tpu.memref_squeeze %dma_start3A_16 : memref<1x40x128xi32, #tpu.memory_space<hbm>> -> memref<40x128xi32, #tpu.memory_space<hbm>>
    tpu.enqueue_dma source(%dma_start3A_17 : memref<40x128xi32, #tpu.memory_space<hbm>>) target(%arg9 : memref<40x128xi32, #tpu.memory_space<vmem>>) target_semaphore(%arg14 : memref<!tpu.dma_semaphore, #tpu.memory_space<semaphore_mem>>)
    %eq3A = arith.constant 0 : i32
    %eq3A_18 = arith.cmpi eq, %arg0, %eq3A : i32
    %convert_element_type3A = arith.extui %eq3A_18 : i1 to i32
    %cond3A = arith.constant 0 : i32
    %cond3A_19 = arith.cmpi ne, %convert_element_type3A, %cond3A : i32
    scf.if %cond3A_19 {
      "tpu.region"() ({
        %run_scoped3A = tpu.sem_alloc : memref<!tpu.dma_semaphore, #tpu.memory_space<semaphore_mem>>
        %dma_start3A_75 = arith.constant 0 : i32
        %dma_start3A_76 = tpu.memref_slice %arg12[%mul3A_2, %dma_start3A_75] : memref<10112x128xf32, #tpu.memory_space<vmem_shared>> -> memref<632x128xf32, #tpu.memory_space<vmem_shared>>
        %dma_start3A_77 = arith.constant 0 : i32
        %dma_start3A_78 = tpu.memref_slice %arg4[%mul3A_2, %dma_start3A_77] : memref<10112x128xf32, #tpu.memory_space<hbm>> -> memref<632x128xf32, #tpu.memory_space<hbm>>
        tpu.enqueue_dma source(%dma_start3A_78 : memref<632x128xf32, #tpu.memory_space<hbm>>) target(%dma_start3A_76 : memref<632x128xf32, #tpu.memory_space<vmem_shared>>) target_semaphore(%run_scoped3A : memref<!tpu.dma_semaphore, #tpu.memory_space<semaphore_mem>>)
        %dma_wait3A_79 = arith.constant 0 : i32
        %dma_wait3A_80 = tpu.memref_slice %arg12[%mul3A_2, %dma_wait3A_79] : memref<10112x128xf32, #tpu.memory_space<vmem_shared>> -> memref<632x128xf32, #tpu.memory_space<vmem_shared>>
        %dma_wait3A_81 = arith.constant 0 : i32
        %dma_wait3A_82 = tpu.memref_slice %arg4[%mul3A_2, %dma_wait3A_81] : memref<10112x128xf32, #tpu.memory_space<hbm>> -> memref<632x128xf32, #tpu.memory_space<hbm>>
        tpu.wait_dma2 semaphore(%run_scoped3A : memref<!tpu.dma_semaphore, #tpu.memory_space<semaphore_mem>>) src(%dma_wait3A_82 : memref<632x128xf32, #tpu.memory_space<hbm>>) dst(%dma_wait3A_80 : memref<632x128xf32, #tpu.memory_space<vmem_shared>>)
        tpu.yield
      }) : () -> ()
    } else {
    }
    %ne3A = arith.constant 0 : i32
    %ne3A_20 = arith.cmpi ne, %arg0, %ne3A : i32
    %convert_element_type3A_21 = arith.extui %ne3A_20 : i1 to i32
    %cond3A_22 = arith.constant 0 : i32
    %cond3A_23 = arith.cmpi ne, %convert_element_type3A_21, %cond3A_22 : i32
    scf.if %cond3A_23 {
      "tpu.region"() ({
        %run_scoped3A = tpu.sem_alloc : memref<!tpu.dma_semaphore, #tpu.memory_space<semaphore_mem>>
        %dma_start3A_75 = arith.constant 0 : i32
        %dma_start3A_76 = tpu.memref_slice %arg12[%mul3A_2, %dma_start3A_75] : memref<10112x128xf32, #tpu.memory_space<vmem_shared>> -> memref<632x128xf32, #tpu.memory_space<vmem_shared>>
        %dma_start3A_77 = arith.constant 0 : i32
        %dma_start3A_78 = tpu.memref_slice %arg5[%mul3A_2, %dma_start3A_77] : memref<10112x128xf32, #tpu.memory_space<hbm>> -> memref<632x128xf32, #tpu.memory_space<hbm>>
        tpu.enqueue_dma source(%dma_start3A_78 : memref<632x128xf32, #tpu.memory_space<hbm>>) target(%dma_start3A_76 : memref<632x128xf32, #tpu.memory_space<vmem_shared>>) target_semaphore(%run_scoped3A : memref<!tpu.dma_semaphore, #tpu.memory_space<semaphore_mem>>)
        %dma_wait3A_79 = arith.constant 0 : i32
        %dma_wait3A_80 = tpu.memref_slice %arg12[%mul3A_2, %dma_wait3A_79] : memref<10112x128xf32, #tpu.memory_space<vmem_shared>> -> memref<632x128xf32, #tpu.memory_space<vmem_shared>>
        %dma_wait3A_81 = arith.constant 0 : i32
        %dma_wait3A_82 = tpu.memref_slice %arg5[%mul3A_2, %dma_wait3A_81] : memref<10112x128xf32, #tpu.memory_space<hbm>> -> memref<632x128xf32, #tpu.memory_space<hbm>>
        tpu.wait_dma2 semaphore(%run_scoped3A : memref<!tpu.dma_semaphore, #tpu.memory_space<semaphore_mem>>) src(%dma_wait3A_82 : memref<632x128xf32, #tpu.memory_space<hbm>>) dst(%dma_wait3A_80 : memref<632x128xf32, #tpu.memory_space<vmem_shared>>)
        tpu.yield
      }) : () -> ()
    } else {
    }
    %dma_wait3A = arith.constant 0 : i32
    %dma_wait3A_24 = arith.constant 0 : i32
    %dma_wait3A_25 = tpu.memref_slice %arg2[%add3A, %dma_wait3A, %dma_wait3A_24] : memref<32x80x128xi32, #tpu.memory_space<hbm>> -> memref<1x40x128xi32, #tpu.memory_space<hbm>>
    %dma_wait3A_26 = tpu.memref_squeeze %dma_wait3A_25 : memref<1x40x128xi32, #tpu.memory_space<hbm>> -> memref<40x128xi32, #tpu.memory_space<hbm>>
    %dma_wait3A_27 = arith.constant 0 : i32
    %dma_wait3A_28 = arith.constant 0 : i32
    %dma_wait3A_29 = tpu.memref_slice %arg2[%add3A, %dma_wait3A_27, %dma_wait3A_28] : memref<32x80x128xi32, #tpu.memory_space<hbm>> -> memref<1x40x128xi32, #tpu.memory_space<hbm>>
    %dma_wait3A_30 = tpu.memref_squeeze %dma_wait3A_29 : memref<1x40x128xi32, #tpu.memory_space<hbm>> -> memref<40x128xi32, #tpu.memory_space<hbm>>
    tpu.wait_dma2 semaphore(%arg13 : memref<!tpu.dma_semaphore, #tpu.memory_space<semaphore_mem>>) src(%dma_wait3A_30 : memref<40x128xi32, #tpu.memory_space<hbm>>) dst(%arg8 : memref<40x128xi32, #tpu.memory_space<vmem>>)
    %dma_wait3A_31 = arith.constant 0 : i32
    %dma_wait3A_32 = arith.constant 0 : i32
    %dma_wait3A_33 = tpu.memref_slice %arg3[%add3A, %dma_wait3A_31, %dma_wait3A_32] : memref<32x80x128xi32, #tpu.memory_space<hbm>> -> memref<1x40x128xi32, #tpu.memory_space<hbm>>
    %dma_wait3A_34 = tpu.memref_squeeze %dma_wait3A_33 : memref<1x40x128xi32, #tpu.memory_space<hbm>> -> memref<40x128xi32, #tpu.memory_space<hbm>>
    %dma_wait3A_35 = arith.constant 0 : i32
    %dma_wait3A_36 = arith.constant 0 : i32
    %dma_wait3A_37 = tpu.memref_slice %arg3[%add3A, %dma_wait3A_35, %dma_wait3A_36] : memref<32x80x128xi32, #tpu.memory_space<hbm>> -> memref<1x40x128xi32, #tpu.memory_space<hbm>>
    %dma_wait3A_38 = tpu.memref_squeeze %dma_wait3A_37 : memref<1x40x128xi32, #tpu.memory_space<hbm>> -> memref<40x128xi32, #tpu.memory_space<hbm>>
    tpu.wait_dma2 semaphore(%arg14 : memref<!tpu.dma_semaphore, #tpu.memory_space<semaphore_mem>>) src(%dma_wait3A_38 : memref<40x128xi32, #tpu.memory_space<hbm>>) dst(%arg9 : memref<40x128xi32, #tpu.memory_space<vmem>>)
    %barrier3A = arith.constant 0 : index
    tpu.barrier barrier_id(%barrier3A)
    %dma_start3A_39 = arith.constant 0 : i32
    %dma_start3A_40 = arith.constant 0 : i32
    %dma_start3A_41 = tpu.memref_slice %arg8[%dma_start3A_39, %dma_start3A_40] : memref<40x128xi32, #tpu.memory_space<vmem>> -> memref<1x128xi32, #tpu.memory_space<vmem>>
    %dma_start3A_42 = tpu.memref_squeeze %dma_start3A_41 : memref<1x128xi32, #tpu.memory_space<vmem>> -> memref<128xi32, #tpu.memory_space<vmem>>
    %dma_start3A_43 = arith.constant 0 : i32
    %dma_start3A_44 = arith.constant 0 : i32
    %dma_start3A_45 = tpu.memref_slice %arg4[%dma_start3A_43, %dma_start3A_44] : memref<10112x128xf32, #tpu.memory_space<hbm>> -> memref<10112x128xf32, #tpu.memory_space<hbm>>
    tpu.enqueue_indirect_dma source(%dma_start3A_45 : memref<10112x128xf32, #tpu.memory_space<hbm>>) target(%arg10 : memref<128x128xf32, #tpu.memory_space<vmem>>) offsets(%dma_start3A_42 : memref<128xi32, #tpu.memory_space<vmem>>) semaphore(%arg13 : memref<!tpu.dma_semaphore, #tpu.memory_space<semaphore_mem>>)
    %scan3A = arith.constant 0 : i32
    %scan3A_46 = arith.constant 0 : i32
    %scan3A_47 = arith.constant 20 : i32
    %scan3A_48 = arith.addi %scan3A_46, %scan3A_47 : i32
    %scan3A_49 = arith.constant 1 : i32
    scf.for %scan3A_75 = %scan3A_46 to %scan3A_48 step %scan3A_49  : i32 {
      %mul3A_76 = arith.constant 2 : i32
      %mul3A_77 = arith.muli %mul3A_76, %scan3A_75 : i32
      %add3A_78 = arith.constant 1 : i32
      %add3A_79 = arith.addi %mul3A_77, %add3A_78 : i32
      %dma_start3A_80 = arith.constant 0 : i32
      %dma_start3A_81 = tpu.memref_slice %arg8[%add3A_79, %dma_start3A_80] : memref<40x128xi32, #tpu.memory_space<vmem>> -> memref<1x128xi32, #tpu.memory_space<vmem>>
      %dma_start3A_82 = tpu.memref_squeeze %dma_start3A_81 : memref<1x128xi32, #tpu.memory_space<vmem>> -> memref<128xi32, #tpu.memory_space<vmem>>
      %dma_start3A_83 = arith.constant 0 : i32
      %dma_start3A_84 = arith.constant 0 : i32
      %dma_start3A_85 = tpu.memref_slice %arg4[%dma_start3A_83, %dma_start3A_84] : memref<10112x128xf32, #tpu.memory_space<hbm>> -> memref<10112x128xf32, #tpu.memory_space<hbm>>
      tpu.enqueue_indirect_dma source(%dma_start3A_85 : memref<10112x128xf32, #tpu.memory_space<hbm>>) target(%arg11 : memref<128x128xf32, #tpu.memory_space<vmem>>) offsets(%dma_start3A_82 : memref<128xi32, #tpu.memory_space<vmem>>) semaphore(%arg14 : memref<!tpu.dma_semaphore, #tpu.memory_space<semaphore_mem>>)
      %dma_wait3A_86 = arith.constant 0 : i32
      %dma_wait3A_87 = arith.constant 0 : i32
      %dma_wait3A_88 = tpu.memref_slice %arg4[%dma_wait3A_86, %dma_wait3A_87] : memref<10112x128xf32, #tpu.memory_space<hbm>> -> memref<128x128xf32, #tpu.memory_space<hbm>>
      %dma_wait3A_89 = arith.constant 0 : i32
      %dma_wait3A_90 = arith.constant 0 : i32
      %dma_wait3A_91 = tpu.memref_slice %arg4[%dma_wait3A_89, %dma_wait3A_90] : memref<10112x128xf32, #tpu.memory_space<hbm>> -> memref<128x128xf32, #tpu.memory_space<hbm>>
      tpu.wait_dma2 semaphore(%arg13 : memref<!tpu.dma_semaphore, #tpu.memory_space<semaphore_mem>>) src(%dma_wait3A_91 : memref<128x128xf32, #tpu.memory_space<hbm>>) dst(%arg10 : memref<128x128xf32, #tpu.memory_space<vmem>>)
      "tpu.region"() ({
        %run_scoped3A = tpu.sem_alloc : memref<!tpu.dma_semaphore, #tpu.memory_space<semaphore_mem>>
        %dma_start3A_102 = arith.constant 0 : i32
        %dma_start3A_103 = tpu.memref_slice %arg9[%mul3A_77, %dma_start3A_102] : memref<40x128xi32, #tpu.memory_space<vmem>> -> memref<1x128xi32, #tpu.memory_space<vmem>>
        %dma_start3A_104 = tpu.memref_squeeze %dma_start3A_103 : memref<1x128xi32, #tpu.memory_space<vmem>> -> memref<128xi32, #tpu.memory_space<vmem>>
        %dma_start3A_105 = arith.constant 0 : i32
        %dma_start3A_106 = arith.constant 0 : i32
        %dma_start3A_107 = tpu.memref_slice %arg12[%dma_start3A_105, %dma_start3A_106] : memref<10112x128xf32, #tpu.memory_space<vmem_shared>> -> memref<10112x128xf32, #tpu.memory_space<vmem_shared>>
        tpu.enqueue_indirect_dma source(%arg10 : memref<128x128xf32, #tpu.memory_space<vmem>>) target(%dma_start3A_107 : memref<10112x128xf32, #tpu.memory_space<vmem_shared>>) offsets(%dma_start3A_104 : memref<128xi32, #tpu.memory_space<vmem>>) semaphore(%run_scoped3A : memref<!tpu.dma_semaphore, #tpu.memory_space<semaphore_mem>>) {add = true}
        %dma_wait3A_108 = arith.constant 0 : i32
        %dma_wait3A_109 = tpu.memref_slice %arg9[%mul3A_77, %dma_wait3A_108] : memref<40x128xi32, #tpu.memory_space<vmem>> -> memref<1x128xi32, #tpu.memory_space<vmem>>
        %dma_wait3A_110 = tpu.memref_squeeze %dma_wait3A_109 : memref<1x128xi32, #tpu.memory_space<vmem>> -> memref<128xi32, #tpu.memory_space<vmem>>
        %dma_wait3A_111 = arith.constant 0 : i32
        %dma_wait3A_112 = arith.constant 0 : i32
        %dma_wait3A_113 = tpu.memref_slice %arg12[%dma_wait3A_111, %dma_wait3A_112] : memref<10112x128xf32, #tpu.memory_space<vmem_shared>> -> memref<10112x128xf32, #tpu.memory_space<vmem_shared>>
        tpu.wait_indirect_dma semaphore(%run_scoped3A : memref<!tpu.dma_semaphore, #tpu.memory_space<semaphore_mem>>) src(%arg10 : memref<128x128xf32, #tpu.memory_space<vmem>>) dst(%dma_wait3A_113 : memref<10112x128xf32, #tpu.memory_space<vmem_shared>>)
        tpu.yield
      }) : () -> ()
      %lt3A = arith.constant 19 : i32
      %lt3A_92 = arith.cmpi slt, %scan3A_75, %lt3A : i32
      %convert_element_type3A_93 = arith.extui %lt3A_92 : i1 to i32
      %cond3A_94 = arith.constant 0 : i32
      %cond3A_95 = arith.cmpi ne, %convert_element_type3A_93, %cond3A_94 : i32
      scf.if %cond3A_95 {
        %add3A_102 = arith.constant 2 : i32
        %add3A_103 = arith.addi %mul3A_77, %add3A_102 : i32
        %dma_start3A_104 = arith.constant 0 : i32
        %dma_start3A_105 = tpu.memref_slice %arg8[%add3A_103, %dma_start3A_104] : memref<40x128xi32, #tpu.memory_space<vmem>> -> memref<1x128xi32, #tpu.memory_space<vmem>>
        %dma_start3A_106 = tpu.memref_squeeze %dma_start3A_105 : memref<1x128xi32, #tpu.memory_space<vmem>> -> memref<128xi32, #tpu.memory_space<vmem>>
        %dma_start3A_107 = arith.constant 0 : i32
        %dma_start3A_108 = arith.constant 0 : i32
        %dma_start3A_109 = tpu.memref_slice %arg4[%dma_start3A_107, %dma_start3A_108] : memref<10112x128xf32, #tpu.memory_space<hbm>> -> memref<10112x128xf32, #tpu.memory_space<hbm>>
        tpu.enqueue_indirect_dma source(%dma_start3A_109 : memref<10112x128xf32, #tpu.memory_space<hbm>>) target(%arg10 : memref<128x128xf32, #tpu.memory_space<vmem>>) offsets(%dma_start3A_106 : memref<128xi32, #tpu.memory_space<vmem>>) semaphore(%arg13 : memref<!tpu.dma_semaphore, #tpu.memory_space<semaphore_mem>>)
      } else {
      }
      %dma_wait3A_96 = arith.constant 0 : i32
      %dma_wait3A_97 = arith.constant 0 : i32
      %dma_wait3A_98 = tpu.memref_slice %arg4[%dma_wait3A_96, %dma_wait3A_97] : memref<10112x128xf32, #tpu.memory_space<hbm>> -> memref<128x128xf32, #tpu.memory_space<hbm>>
      %dma_wait3A_99 = arith.constant 0 : i32
      %dma_wait3A_100 = arith.constant 0 : i32
      %dma_wait3A_101 = tpu.memref_slice %arg4[%dma_wait3A_99, %dma_wait3A_100] : memref<10112x128xf32, #tpu.memory_space<hbm>> -> memref<128x128xf32, #tpu.memory_space<hbm>>
      tpu.wait_dma2 semaphore(%arg14 : memref<!tpu.dma_semaphore, #tpu.memory_space<semaphore_mem>>) src(%dma_wait3A_101 : memref<128x128xf32, #tpu.memory_space<hbm>>) dst(%arg11 : memref<128x128xf32, #tpu.memory_space<vmem>>)
      "tpu.region"() ({
        %run_scoped3A = tpu.sem_alloc : memref<!tpu.dma_semaphore, #tpu.memory_space<semaphore_mem>>
        %dma_start3A_102 = arith.constant 0 : i32
        %dma_start3A_103 = tpu.memref_slice %arg9[%add3A_79, %dma_start3A_102] : memref<40x128xi32, #tpu.memory_space<vmem>> -> memref<1x128xi32, #tpu.memory_space<vmem>>
        %dma_start3A_104 = tpu.memref_squeeze %dma_start3A_103 : memref<1x128xi32, #tpu.memory_space<vmem>> -> memref<128xi32, #tpu.memory_space<vmem>>
        %dma_start3A_105 = arith.constant 0 : i32
        %dma_start3A_106 = arith.constant 0 : i32
        %dma_start3A_107 = tpu.memref_slice %arg12[%dma_start3A_105, %dma_start3A_106] : memref<10112x128xf32, #tpu.memory_space<vmem_shared>> -> memref<10112x128xf32, #tpu.memory_space<vmem_shared>>
        tpu.enqueue_indirect_dma source(%arg11 : memref<128x128xf32, #tpu.memory_space<vmem>>) target(%dma_start3A_107 : memref<10112x128xf32, #tpu.memory_space<vmem_shared>>) offsets(%dma_start3A_104 : memref<128xi32, #tpu.memory_space<vmem>>) semaphore(%run_scoped3A : memref<!tpu.dma_semaphore, #tpu.memory_space<semaphore_mem>>) {add = true}
        %dma_wait3A_108 = arith.constant 0 : i32
        %dma_wait3A_109 = tpu.memref_slice %arg9[%add3A_79, %dma_wait3A_108] : memref<40x128xi32, #tpu.memory_space<vmem>> -> memref<1x128xi32, #tpu.memory_space<vmem>>
        %dma_wait3A_110 = tpu.memref_squeeze %dma_wait3A_109 : memref<1x128xi32, #tpu.memory_space<vmem>> -> memref<128xi32, #tpu.memory_space<vmem>>
        %dma_wait3A_111 = arith.constant 0 : i32
        %dma_wait3A_112 = arith.constant 0 : i32
        %dma_wait3A_113 = tpu.memref_slice %arg12[%dma_wait3A_111, %dma_wait3A_112] : memref<10112x128xf32, #tpu.memory_space<vmem_shared>> -> memref<10112x128xf32, #tpu.memory_space<vmem_shared>>
        tpu.wait_indirect_dma semaphore(%run_scoped3A : memref<!tpu.dma_semaphore, #tpu.memory_space<semaphore_mem>>) src(%arg11 : memref<128x128xf32, #tpu.memory_space<vmem>>) dst(%dma_wait3A_113 : memref<10112x128xf32, #tpu.memory_space<vmem_shared>>)
        tpu.yield
      }) : () -> ()
    }
    %scan3A_50 = arith.constant 20 : i32
    "tpu.region"() ({
      %run_scoped3A = tpu.sem_alloc : memref<!tpu.dma_semaphore, #tpu.memory_space<semaphore_mem>>
      %dma_start3A_75 = arith.constant 40 : i32
      %dma_start3A_76 = arith.constant 0 : i32
      %dma_start3A_77 = tpu.memref_slice %arg2[%add3A, %dma_start3A_75, %dma_start3A_76] : memref<32x80x128xi32, #tpu.memory_space<hbm>> -> memref<1x40x128xi32, #tpu.memory_space<hbm>>
      %dma_start3A_78 = tpu.memref_squeeze %dma_start3A_77 : memref<1x40x128xi32, #tpu.memory_space<hbm>> -> memref<40x128xi32, #tpu.memory_space<hbm>>
      %dma_start3A_79 = arith.constant 40 : i32
      %dma_start3A_80 = arith.constant 0 : i32
      %dma_start3A_81 = tpu.memref_slice %arg2[%add3A, %dma_start3A_79, %dma_start3A_80] : memref<32x80x128xi32, #tpu.memory_space<hbm>> -> memref<1x40x128xi32, #tpu.memory_space<hbm>>
      %dma_start3A_82 = tpu.memref_squeeze %dma_start3A_81 : memref<1x40x128xi32, #tpu.memory_space<hbm>> -> memref<40x128xi32, #tpu.memory_space<hbm>>
      tpu.enqueue_dma source(%dma_start3A_82 : memref<40x128xi32, #tpu.memory_space<hbm>>) target(%arg8 : memref<40x128xi32, #tpu.memory_space<vmem>>) target_semaphore(%run_scoped3A : memref<!tpu.dma_semaphore, #tpu.memory_space<semaphore_mem>>)
      %dma_wait3A_83 = arith.constant 40 : i32
      %dma_wait3A_84 = arith.constant 0 : i32
      %dma_wait3A_85 = tpu.memref_slice %arg2[%add3A, %dma_wait3A_83, %dma_wait3A_84] : memref<32x80x128xi32, #tpu.memory_space<hbm>> -> memref<1x40x128xi32, #tpu.memory_space<hbm>>
      %dma_wait3A_86 = tpu.memref_squeeze %dma_wait3A_85 : memref<1x40x128xi32, #tpu.memory_space<hbm>> -> memref<40x128xi32, #tpu.memory_space<hbm>>
      %dma_wait3A_87 = arith.constant 40 : i32
      %dma_wait3A_88 = arith.constant 0 : i32
      %dma_wait3A_89 = tpu.memref_slice %arg2[%add3A, %dma_wait3A_87, %dma_wait3A_88] : memref<32x80x128xi32, #tpu.memory_space<hbm>> -> memref<1x40x128xi32, #tpu.memory_space<hbm>>
      %dma_wait3A_90 = tpu.memref_squeeze %dma_wait3A_89 : memref<1x40x128xi32, #tpu.memory_space<hbm>> -> memref<40x128xi32, #tpu.memory_space<hbm>>
      tpu.wait_dma2 semaphore(%run_scoped3A : memref<!tpu.dma_semaphore, #tpu.memory_space<semaphore_mem>>) src(%dma_wait3A_90 : memref<40x128xi32, #tpu.memory_space<hbm>>) dst(%arg8 : memref<40x128xi32, #tpu.memory_space<vmem>>)
      tpu.yield
    }) : () -> ()
    "tpu.region"() ({
      %run_scoped3A = tpu.sem_alloc : memref<!tpu.dma_semaphore, #tpu.memory_space<semaphore_mem>>
      %dma_start3A_75 = arith.constant 40 : i32
      %dma_start3A_76 = arith.constant 0 : i32
      %dma_start3A_77 = tpu.memref_slice %arg3[%add3A, %dma_start3A_75, %dma_start3A_76] : memref<32x80x128xi32, #tpu.memory_space<hbm>> -> memref<1x40x128xi32, #tpu.memory_space<hbm>>
      %dma_start3A_78 = tpu.memref_squeeze %dma_start3A_77 : memref<1x40x128xi32, #tpu.memory_space<hbm>> -> memref<40x128xi32, #tpu.memory_space<hbm>>
      %dma_start3A_79 = arith.constant 40 : i32
      %dma_start3A_80 = arith.constant 0 : i32
      %dma_start3A_81 = tpu.memref_slice %arg3[%add3A, %dma_start3A_79, %dma_start3A_80] : memref<32x80x128xi32, #tpu.memory_space<hbm>> -> memref<1x40x128xi32, #tpu.memory_space<hbm>>
      %dma_start3A_82 = tpu.memref_squeeze %dma_start3A_81 : memref<1x40x128xi32, #tpu.memory_space<hbm>> -> memref<40x128xi32, #tpu.memory_space<hbm>>
      tpu.enqueue_dma source(%dma_start3A_82 : memref<40x128xi32, #tpu.memory_space<hbm>>) target(%arg9 : memref<40x128xi32, #tpu.memory_space<vmem>>) target_semaphore(%run_scoped3A : memref<!tpu.dma_semaphore, #tpu.memory_space<semaphore_mem>>)
      %dma_wait3A_83 = arith.constant 40 : i32
      %dma_wait3A_84 = arith.constant 0 : i32
      %dma_wait3A_85 = tpu.memref_slice %arg3[%add3A, %dma_wait3A_83, %dma_wait3A_84] : memref<32x80x128xi32, #tpu.memory_space<hbm>> -> memref<1x40x128xi32, #tpu.memory_space<hbm>>
      %dma_wait3A_86 = tpu.memref_squeeze %dma_wait3A_85 : memref<1x40x128xi32, #tpu.memory_space<hbm>> -> memref<40x128xi32, #tpu.memory_space<hbm>>
      %dma_wait3A_87 = arith.constant 40 : i32
      %dma_wait3A_88 = arith.constant 0 : i32
      %dma_wait3A_89 = tpu.memref_slice %arg3[%add3A, %dma_wait3A_87, %dma_wait3A_88] : memref<32x80x128xi32, #tpu.memory_space<hbm>> -> memref<1x40x128xi32, #tpu.memory_space<hbm>>
      %dma_wait3A_90 = tpu.memref_squeeze %dma_wait3A_89 : memref<1x40x128xi32, #tpu.memory_space<hbm>> -> memref<40x128xi32, #tpu.memory_space<hbm>>
      tpu.wait_dma2 semaphore(%run_scoped3A : memref<!tpu.dma_semaphore, #tpu.memory_space<semaphore_mem>>) src(%dma_wait3A_90 : memref<40x128xi32, #tpu.memory_space<hbm>>) dst(%arg9 : memref<40x128xi32, #tpu.memory_space<vmem>>)
      tpu.yield
    }) : () -> ()
    %dma_start3A_51 = arith.constant 0 : i32
    %dma_start3A_52 = arith.constant 0 : i32
    %dma_start3A_53 = tpu.memref_slice %arg8[%dma_start3A_51, %dma_start3A_52] : memref<40x128xi32, #tpu.memory_space<vmem>> -> memref<1x128xi32, #tpu.memory_space<vmem>>
    %dma_start3A_54 = tpu.memref_squeeze %dma_start3A_53 : memref<1x128xi32, #tpu.memory_space<vmem>> -> memref<128xi32, #tpu.memory_space<vmem>>
    %dma_start3A_55 = arith.constant 0 : i32
    %dma_start3A_56 = arith.constant 0 : i32
    %dma_start3A_57 = tpu.memref_slice %arg4[%dma_start3A_55, %dma_start3A_56] : memref<10112x128xf32, #tpu.memory_space<hbm>> -> memref<10112x128xf32, #tpu.memory_space<hbm>>
    tpu.enqueue_indirect_dma source(%dma_start3A_57 : memref<10112x128xf32, #tpu.memory_space<hbm>>) target(%arg10 : memref<128x128xf32, #tpu.memory_space<vmem>>) offsets(%dma_start3A_54 : memref<128xi32, #tpu.memory_space<vmem>>) semaphore(%arg13 : memref<!tpu.dma_semaphore, #tpu.memory_space<semaphore_mem>>)
    %scan3A_58 = arith.constant 0 : i32
    %scan3A_59 = arith.constant 0 : i32
    %scan3A_60 = arith.constant 20 : i32
    %scan3A_61 = arith.addi %scan3A_59, %scan3A_60 : i32
    %scan3A_62 = arith.constant 1 : i32
    scf.for %scan3A_75 = %scan3A_59 to %scan3A_61 step %scan3A_62  : i32 {
      %mul3A_76 = arith.constant 2 : i32
      %mul3A_77 = arith.muli %mul3A_76, %scan3A_75 : i32
      %add3A_78 = arith.constant 1 : i32
      %add3A_79 = arith.addi %mul3A_77, %add3A_78 : i32
      %dma_start3A_80 = arith.constant 0 : i32
      %dma_start3A_81 = tpu.memref_slice %arg8[%add3A_79, %dma_start3A_80] : memref<40x128xi32, #tpu.memory_space<vmem>> -> memref<1x128xi32, #tpu.memory_space<vmem>>
      %dma_start3A_82 = tpu.memref_squeeze %dma_start3A_81 : memref<1x128xi32, #tpu.memory_space<vmem>> -> memref<128xi32, #tpu.memory_space<vmem>>
      %dma_start3A_83 = arith.constant 0 : i32
      %dma_start3A_84 = arith.constant 0 : i32
      %dma_start3A_85 = tpu.memref_slice %arg4[%dma_start3A_83, %dma_start3A_84] : memref<10112x128xf32, #tpu.memory_space<hbm>> -> memref<10112x128xf32, #tpu.memory_space<hbm>>
      tpu.enqueue_indirect_dma source(%dma_start3A_85 : memref<10112x128xf32, #tpu.memory_space<hbm>>) target(%arg11 : memref<128x128xf32, #tpu.memory_space<vmem>>) offsets(%dma_start3A_82 : memref<128xi32, #tpu.memory_space<vmem>>) semaphore(%arg14 : memref<!tpu.dma_semaphore, #tpu.memory_space<semaphore_mem>>)
      %dma_wait3A_86 = arith.constant 0 : i32
      %dma_wait3A_87 = arith.constant 0 : i32
      %dma_wait3A_88 = tpu.memref_slice %arg4[%dma_wait3A_86, %dma_wait3A_87] : memref<10112x128xf32, #tpu.memory_space<hbm>> -> memref<128x128xf32, #tpu.memory_space<hbm>>
      %dma_wait3A_89 = arith.constant 0 : i32
      %dma_wait3A_90 = arith.constant 0 : i32
      %dma_wait3A_91 = tpu.memref_slice %arg4[%dma_wait3A_89, %dma_wait3A_90] : memref<10112x128xf32, #tpu.memory_space<hbm>> -> memref<128x128xf32, #tpu.memory_space<hbm>>
      tpu.wait_dma2 semaphore(%arg13 : memref<!tpu.dma_semaphore, #tpu.memory_space<semaphore_mem>>) src(%dma_wait3A_91 : memref<128x128xf32, #tpu.memory_space<hbm>>) dst(%arg10 : memref<128x128xf32, #tpu.memory_space<vmem>>)
      "tpu.region"() ({
        %run_scoped3A = tpu.sem_alloc : memref<!tpu.dma_semaphore, #tpu.memory_space<semaphore_mem>>
        %dma_start3A_102 = arith.constant 0 : i32
        %dma_start3A_103 = tpu.memref_slice %arg9[%mul3A_77, %dma_start3A_102] : memref<40x128xi32, #tpu.memory_space<vmem>> -> memref<1x128xi32, #tpu.memory_space<vmem>>
        %dma_start3A_104 = tpu.memref_squeeze %dma_start3A_103 : memref<1x128xi32, #tpu.memory_space<vmem>> -> memref<128xi32, #tpu.memory_space<vmem>>
        %dma_start3A_105 = arith.constant 0 : i32
        %dma_start3A_106 = arith.constant 0 : i32
        %dma_start3A_107 = tpu.memref_slice %arg12[%dma_start3A_105, %dma_start3A_106] : memref<10112x128xf32, #tpu.memory_space<vmem_shared>> -> memref<10112x128xf32, #tpu.memory_space<vmem_shared>>
        tpu.enqueue_indirect_dma source(%arg10 : memref<128x128xf32, #tpu.memory_space<vmem>>) target(%dma_start3A_107 : memref<10112x128xf32, #tpu.memory_space<vmem_shared>>) offsets(%dma_start3A_104 : memref<128xi32, #tpu.memory_space<vmem>>) semaphore(%run_scoped3A : memref<!tpu.dma_semaphore, #tpu.memory_space<semaphore_mem>>) {add = true}
        %dma_wait3A_108 = arith.constant 0 : i32
        %dma_wait3A_109 = tpu.memref_slice %arg9[%mul3A_77, %dma_wait3A_108] : memref<40x128xi32, #tpu.memory_space<vmem>> -> memref<1x128xi32, #tpu.memory_space<vmem>>
        %dma_wait3A_110 = tpu.memref_squeeze %dma_wait3A_109 : memref<1x128xi32, #tpu.memory_space<vmem>> -> memref<128xi32, #tpu.memory_space<vmem>>
        %dma_wait3A_111 = arith.constant 0 : i32
        %dma_wait3A_112 = arith.constant 0 : i32
        %dma_wait3A_113 = tpu.memref_slice %arg12[%dma_wait3A_111, %dma_wait3A_112] : memref<10112x128xf32, #tpu.memory_space<vmem_shared>> -> memref<10112x128xf32, #tpu.memory_space<vmem_shared>>
        tpu.wait_indirect_dma semaphore(%run_scoped3A : memref<!tpu.dma_semaphore, #tpu.memory_space<semaphore_mem>>) src(%arg10 : memref<128x128xf32, #tpu.memory_space<vmem>>) dst(%dma_wait3A_113 : memref<10112x128xf32, #tpu.memory_space<vmem_shared>>)
        tpu.yield
      }) : () -> ()
      %lt3A = arith.constant 19 : i32
      %lt3A_92 = arith.cmpi slt, %scan3A_75, %lt3A : i32
      %convert_element_type3A_93 = arith.extui %lt3A_92 : i1 to i32
      %cond3A_94 = arith.constant 0 : i32
      %cond3A_95 = arith.cmpi ne, %convert_element_type3A_93, %cond3A_94 : i32
      scf.if %cond3A_95 {
        %add3A_102 = arith.constant 2 : i32
        %add3A_103 = arith.addi %mul3A_77, %add3A_102 : i32
        %dma_start3A_104 = arith.constant 0 : i32
        %dma_start3A_105 = tpu.memref_slice %arg8[%add3A_103, %dma_start3A_104] : memref<40x128xi32, #tpu.memory_space<vmem>> -> memref<1x128xi32, #tpu.memory_space<vmem>>
        %dma_start3A_106 = tpu.memref_squeeze %dma_start3A_105 : memref<1x128xi32, #tpu.memory_space<vmem>> -> memref<128xi32, #tpu.memory_space<vmem>>
        %dma_start3A_107 = arith.constant 0 : i32
        %dma_start3A_108 = arith.constant 0 : i32
        %dma_start3A_109 = tpu.memref_slice %arg4[%dma_start3A_107, %dma_start3A_108] : memref<10112x128xf32, #tpu.memory_space<hbm>> -> memref<10112x128xf32, #tpu.memory_space<hbm>>
        tpu.enqueue_indirect_dma source(%dma_start3A_109 : memref<10112x128xf32, #tpu.memory_space<hbm>>) target(%arg10 : memref<128x128xf32, #tpu.memory_space<vmem>>) offsets(%dma_start3A_106 : memref<128xi32, #tpu.memory_space<vmem>>) semaphore(%arg13 : memref<!tpu.dma_semaphore, #tpu.memory_space<semaphore_mem>>)
      } else {
      }
      %dma_wait3A_96 = arith.constant 0 : i32
      %dma_wait3A_97 = arith.constant 0 : i32
      %dma_wait3A_98 = tpu.memref_slice %arg4[%dma_wait3A_96, %dma_wait3A_97] : memref<10112x128xf32, #tpu.memory_space<hbm>> -> memref<128x128xf32, #tpu.memory_space<hbm>>
      %dma_wait3A_99 = arith.constant 0 : i32
      %dma_wait3A_100 = arith.constant 0 : i32
      %dma_wait3A_101 = tpu.memref_slice %arg4[%dma_wait3A_99, %dma_wait3A_100] : memref<10112x128xf32, #tpu.memory_space<hbm>> -> memref<128x128xf32, #tpu.memory_space<hbm>>
      tpu.wait_dma2 semaphore(%arg14 : memref<!tpu.dma_semaphore, #tpu.memory_space<semaphore_mem>>) src(%dma_wait3A_101 : memref<128x128xf32, #tpu.memory_space<hbm>>) dst(%arg11 : memref<128x128xf32, #tpu.memory_space<vmem>>)
      "tpu.region"() ({
        %run_scoped3A = tpu.sem_alloc : memref<!tpu.dma_semaphore, #tpu.memory_space<semaphore_mem>>
        %dma_start3A_102 = arith.constant 0 : i32
        %dma_start3A_103 = tpu.memref_slice %arg9[%add3A_79, %dma_start3A_102] : memref<40x128xi32, #tpu.memory_space<vmem>> -> memref<1x128xi32, #tpu.memory_space<vmem>>
        %dma_start3A_104 = tpu.memref_squeeze %dma_start3A_103 : memref<1x128xi32, #tpu.memory_space<vmem>> -> memref<128xi32, #tpu.memory_space<vmem>>
        %dma_start3A_105 = arith.constant 0 : i32
        %dma_start3A_106 = arith.constant 0 : i32
        %dma_start3A_107 = tpu.memref_slice %arg12[%dma_start3A_105, %dma_start3A_106] : memref<10112x128xf32, #tpu.memory_space<vmem_shared>> -> memref<10112x128xf32, #tpu.memory_space<vmem_shared>>
        tpu.enqueue_indirect_dma source(%arg11 : memref<128x128xf32, #tpu.memory_space<vmem>>) target(%dma_start3A_107 : memref<10112x128xf32, #tpu.memory_space<vmem_shared>>) offsets(%dma_start3A_104 : memref<128xi32, #tpu.memory_space<vmem>>) semaphore(%run_scoped3A : memref<!tpu.dma_semaphore, #tpu.memory_space<semaphore_mem>>) {add = true}
        %dma_wait3A_108 = arith.constant 0 : i32
        %dma_wait3A_109 = tpu.memref_slice %arg9[%add3A_79, %dma_wait3A_108] : memref<40x128xi32, #tpu.memory_space<vmem>> -> memref<1x128xi32, #tpu.memory_space<vmem>>
        %dma_wait3A_110 = tpu.memref_squeeze %dma_wait3A_109 : memref<1x128xi32, #tpu.memory_space<vmem>> -> memref<128xi32, #tpu.memory_space<vmem>>
        %dma_wait3A_111 = arith.constant 0 : i32
        %dma_wait3A_112 = arith.constant 0 : i32
        %dma_wait3A_113 = tpu.memref_slice %arg12[%dma_wait3A_111, %dma_wait3A_112] : memref<10112x128xf32, #tpu.memory_space<vmem_shared>> -> memref<10112x128xf32, #tpu.memory_space<vmem_shared>>
        tpu.wait_indirect_dma semaphore(%run_scoped3A : memref<!tpu.dma_semaphore, #tpu.memory_space<semaphore_mem>>) src(%arg11 : memref<128x128xf32, #tpu.memory_space<vmem>>) dst(%dma_wait3A_113 : memref<10112x128xf32, #tpu.memory_space<vmem_shared>>)
        tpu.yield
      }) : () -> ()
    }
    %scan3A_63 = arith.constant 20 : i32
    %barrier3A_64 = arith.constant 0 : index
    tpu.barrier barrier_id(%barrier3A_64)
    %eq3A_65 = arith.constant 0 : i32
    %eq3A_66 = arith.cmpi eq, %arg0, %eq3A_65 : i32
    %convert_element_type3A_67 = arith.extui %eq3A_66 : i1 to i32
    %cond3A_68 = arith.constant 0 : i32
    %cond3A_69 = arith.cmpi ne, %convert_element_type3A_67, %cond3A_68 : i32
    scf.if %cond3A_69 {
      "tpu.region"() ({
        %run_scoped3A = tpu.sem_alloc : memref<!tpu.dma_semaphore, #tpu.memory_space<semaphore_mem>>
        %dma_start3A_75 = arith.constant 0 : i32
        %dma_start3A_76 = tpu.memref_slice %arg6[%mul3A_2, %dma_start3A_75] : memref<10112x128xf32, #tpu.memory_space<hbm>> -> memref<632x128xf32, #tpu.memory_space<hbm>>
        %dma_start3A_77 = arith.constant 0 : i32
        %dma_start3A_78 = tpu.memref_slice %arg12[%mul3A_2, %dma_start3A_77] : memref<10112x128xf32, #tpu.memory_space<vmem_shared>> -> memref<632x128xf32, #tpu.memory_space<vmem_shared>>
        tpu.enqueue_dma source(%dma_start3A_78 : memref<632x128xf32, #tpu.memory_space<vmem_shared>>) target(%dma_start3A_76 : memref<632x128xf32, #tpu.memory_space<hbm>>) target_semaphore(%run_scoped3A : memref<!tpu.dma_semaphore, #tpu.memory_space<semaphore_mem>>)
        %dma_wait3A_79 = arith.constant 0 : i32
        %dma_wait3A_80 = tpu.memref_slice %arg6[%mul3A_2, %dma_wait3A_79] : memref<10112x128xf32, #tpu.memory_space<hbm>> -> memref<632x128xf32, #tpu.memory_space<hbm>>
        %dma_wait3A_81 = arith.constant 0 : i32
        %dma_wait3A_82 = tpu.memref_slice %arg12[%mul3A_2, %dma_wait3A_81] : memref<10112x128xf32, #tpu.memory_space<vmem_shared>> -> memref<632x128xf32, #tpu.memory_space<vmem_shared>>
        tpu.wait_dma2 semaphore(%run_scoped3A : memref<!tpu.dma_semaphore, #tpu.memory_space<semaphore_mem>>) src(%dma_wait3A_82 : memref<632x128xf32, #tpu.memory_space<vmem_shared>>) dst(%dma_wait3A_80 : memref<632x128xf32, #tpu.memory_space<hbm>>)
        tpu.yield
      }) : () -> ()
    } else {
    }
    %ne3A_70 = arith.constant 0 : i32
    %ne3A_71 = arith.cmpi ne, %arg0, %ne3A_70 : i32
    %convert_element_type3A_72 = arith.extui %ne3A_71 : i1 to i32
    %cond3A_73 = arith.constant 0 : i32
    %cond3A_74 = arith.cmpi ne, %convert_element_type3A_72, %cond3A_73 : i32
    scf.if %cond3A_74 {
      "tpu.region"() ({
        %run_scoped3A = tpu.sem_alloc : memref<!tpu.dma_semaphore, #tpu.memory_space<semaphore_mem>>
        %dma_start3A_75 = arith.constant 0 : i32
        %dma_start3A_76 = tpu.memref_slice %arg7[%mul3A_2, %dma_start3A_75] : memref<10112x128xf32, #tpu.memory_space<hbm>> -> memref<632x128xf32, #tpu.memory_space<hbm>>
        %dma_start3A_77 = arith.constant 0 : i32
        %dma_start3A_78 = tpu.memref_slice %arg12[%mul3A_2, %dma_start3A_77] : memref<10112x128xf32, #tpu.memory_space<vmem_shared>> -> memref<632x128xf32, #tpu.memory_space<vmem_shared>>
        tpu.enqueue_dma source(%dma_start3A_78 : memref<632x128xf32, #tpu.memory_space<vmem_shared>>) target(%dma_start3A_76 : memref<632x128xf32, #tpu.memory_space<hbm>>) target_semaphore(%run_scoped3A : memref<!tpu.dma_semaphore, #tpu.memory_space<semaphore_mem>>)
        %dma_wait3A_79 = arith.constant 0 : i32
        %dma_wait3A_80 = tpu.memref_slice %arg7[%mul3A_2, %dma_wait3A_79] : memref<10112x128xf32, #tpu.memory_space<hbm>> -> memref<632x128xf32, #tpu.memory_space<hbm>>
        %dma_wait3A_81 = arith.constant 0 : i32
        %dma_wait3A_82 = tpu.memref_slice %arg12[%mul3A_2, %dma_wait3A_81] : memref<10112x128xf32, #tpu.memory_space<vmem_shared>> -> memref<632x128xf32, #tpu.memory_space<vmem_shared>>
        tpu.wait_dma2 semaphore(%run_scoped3A : memref<!tpu.dma_semaphore, #tpu.memory_space<semaphore_mem>>) src(%dma_wait3A_82 : memref<632x128xf32, #tpu.memory_space<vmem_shared>>) dst(%dma_wait3A_80 : memref<632x128xf32, #tpu.memory_space<hbm>>)
        tpu.yield
      }) : () -> ()
    } else {
    }
    return
  }
}

#map = affine_map<(d0, d1) -> (0, 0, 0)>
#map1 = affine_map<(d0, d1) -> (0)>
module attributes {stable_mosaic.version = 14 : i64} {
  func.func @deg_kernel(%arg0: i32, %arg1: i32, %arg2: memref<32x80x128xi32, #tpu.memory_space<hbm>>, %arg3: memref<10240xf32, #tpu.memory_space<hbm>>, %arg4: memref<10240xf32, #tpu.memory_space<hbm>>, %arg5: memref<80x128xi32, #tpu.memory_space<vmem>>, %arg6: memref<128xf32, #tpu.memory_space<vmem>>, %arg7: memref<640xf32, #tpu.memory_space<vmem>>, %arg8: memref<10240xf32, #tpu.memory_space<vmem_shared>>) attributes {dimension_semantics = [#tpu.dimension_semantics<core_parallel>, #tpu.dimension_semantics<subcore_parallel>], iteration_bounds = array<i64: 2, 16>, scalar_prefetch = 0 : i64, scratch_operands = 4 : i64, tpu.core_type = #tpu.core_type<sc_vector_subcore>, window_params = [{transform_indices = #map}, {transform_indices = #map1}, {transform_indices = #map1}]} {
    %mul3A = arith.constant 16 : i32
    %mul3A_0 = arith.muli %arg0, %mul3A : i32
    %add3A = arith.addi %mul3A_0, %arg1 : i32
    %mul3A_1 = arith.constant 640 : i32
    %mul3A_2 = arith.muli %arg1, %mul3A_1 : i32
    "tpu.region"() ({
      %run_scoped3A = tpu.sem_alloc : memref<!tpu.dma_semaphore, #tpu.memory_space<semaphore_mem>>
      %dma_start3A = arith.constant 0 : i32
      %dma_start3A_301 = arith.constant 0 : i32
      %dma_start3A_302 = tpu.memref_slice %arg2[%add3A, %dma_start3A, %dma_start3A_301] : memref<32x80x128xi32, #tpu.memory_space<hbm>> -> memref<1x80x128xi32, #tpu.memory_space<hbm>>
      %dma_start3A_303 = tpu.memref_squeeze %dma_start3A_302 : memref<1x80x128xi32, #tpu.memory_space<hbm>> -> memref<80x128xi32, #tpu.memory_space<hbm>>
      %dma_start3A_304 = arith.constant 0 : i32
      %dma_start3A_305 = arith.constant 0 : i32
      %dma_start3A_306 = tpu.memref_slice %arg2[%add3A, %dma_start3A_304, %dma_start3A_305] : memref<32x80x128xi32, #tpu.memory_space<hbm>> -> memref<1x80x128xi32, #tpu.memory_space<hbm>>
      %dma_start3A_307 = tpu.memref_squeeze %dma_start3A_306 : memref<1x80x128xi32, #tpu.memory_space<hbm>> -> memref<80x128xi32, #tpu.memory_space<hbm>>
      tpu.enqueue_dma source(%dma_start3A_307 : memref<80x128xi32, #tpu.memory_space<hbm>>) target(%arg5 : memref<80x128xi32, #tpu.memory_space<vmem>>) target_semaphore(%run_scoped3A : memref<!tpu.dma_semaphore, #tpu.memory_space<semaphore_mem>>)
      %dma_wait3A = arith.constant 0 : i32
      %dma_wait3A_308 = arith.constant 0 : i32
      %dma_wait3A_309 = tpu.memref_slice %arg2[%add3A, %dma_wait3A, %dma_wait3A_308] : memref<32x80x128xi32, #tpu.memory_space<hbm>> -> memref<1x80x128xi32, #tpu.memory_space<hbm>>
      %dma_wait3A_310 = tpu.memref_squeeze %dma_wait3A_309 : memref<1x80x128xi32, #tpu.memory_space<hbm>> -> memref<80x128xi32, #tpu.memory_space<hbm>>
      %dma_wait3A_311 = arith.constant 0 : i32
      %dma_wait3A_312 = arith.constant 0 : i32
      %dma_wait3A_313 = tpu.memref_slice %arg2[%add3A, %dma_wait3A_311, %dma_wait3A_312] : memref<32x80x128xi32, #tpu.memory_space<hbm>> -> memref<1x80x128xi32, #tpu.memory_space<hbm>>
      %dma_wait3A_314 = tpu.memref_squeeze %dma_wait3A_313 : memref<1x80x128xi32, #tpu.memory_space<hbm>> -> memref<80x128xi32, #tpu.memory_space<hbm>>
      tpu.wait_dma2 semaphore(%run_scoped3A : memref<!tpu.dma_semaphore, #tpu.memory_space<semaphore_mem>>) src(%dma_wait3A_314 : memref<80x128xi32, #tpu.memory_space<hbm>>) dst(%arg5 : memref<80x128xi32, #tpu.memory_space<vmem>>)
      tpu.yield
    }) : () -> ()
    %broadcast_in_dim3A = arith.constant 0.000000e+00 : f32
    %broadcast_in_dim3A_3 = vector.broadcast %broadcast_in_dim3A : f32 to vector<16xf32>
    %swap3A = arith.constant 0 : index
    %swap3A_4 = tpu.vector_load %arg7[%swap3A] {strides = array<i32>} : memref<640xf32, #tpu.memory_space<vmem>>, vector<16xf32>,
    %swap3A_5 = vector.shape_cast %swap3A_4 : vector<16xf32> to vector<16xf32>
    %swap3A_6 = vector.shape_cast %broadcast_in_dim3A_3 : vector<16xf32> to vector<16xf32>
    tpu.vector_store %arg7[%swap3A], %swap3A_6 {strides = array<i32>} : memref<640xf32, #tpu.memory_space<vmem>>, vector<16xf32>,
    %broadcast_in_dim3A_7 = arith.constant 0.000000e+00 : f32
    %broadcast_in_dim3A_8 = vector.broadcast %broadcast_in_dim3A_7 : f32 to vector<16xf32>
    %swap3A_9 = arith.constant 16 : index
    %swap3A_10 = tpu.vector_load %arg7[%swap3A_9] {strides = array<i32>} : memref<640xf32, #tpu.memory_space<vmem>>, vector<16xf32>,
    %swap3A_11 = vector.shape_cast %swap3A_10 : vector<16xf32> to vector<16xf32>
    %swap3A_12 = vector.shape_cast %broadcast_in_dim3A_8 : vector<16xf32> to vector<16xf32>
    tpu.vector_store %arg7[%swap3A_9], %swap3A_12 {strides = array<i32>} : memref<640xf32, #tpu.memory_space<vmem>>, vector<16xf32>,
    %broadcast_in_dim3A_13 = arith.constant 0.000000e+00 : f32
    %broadcast_in_dim3A_14 = vector.broadcast %broadcast_in_dim3A_13 : f32 to vector<16xf32>
    %swap3A_15 = arith.constant 32 : index
    %swap3A_16 = tpu.vector_load %arg7[%swap3A_15] {strides = array<i32>} : memref<640xf32, #tpu.memory_space<vmem>>, vector<16xf32>,
    %swap3A_17 = vector.shape_cast %swap3A_16 : vector<16xf32> to vector<16xf32>
    %swap3A_18 = vector.shape_cast %broadcast_in_dim3A_14 : vector<16xf32> to vector<16xf32>
    tpu.vector_store %arg7[%swap3A_15], %swap3A_18 {strides = array<i32>} : memref<640xf32, #tpu.memory_space<vmem>>, vector<16xf32>,
    %broadcast_in_dim3A_19 = arith.constant 0.000000e+00 : f32
    %broadcast_in_dim3A_20 = vector.broadcast %broadcast_in_dim3A_19 : f32 to vector<16xf32>
    %swap3A_21 = arith.constant 48 : index
    %swap3A_22 = tpu.vector_load %arg7[%swap3A_21] {strides = array<i32>} : memref<640xf32, #tpu.memory_space<vmem>>, vector<16xf32>,
    %swap3A_23 = vector.shape_cast %swap3A_22 : vector<16xf32> to vector<16xf32>
    %swap3A_24 = vector.shape_cast %broadcast_in_dim3A_20 : vector<16xf32> to vector<16xf32>
    tpu.vector_store %arg7[%swap3A_21], %swap3A_24 {strides = array<i32>} : memref<640xf32, #tpu.memory_space<vmem>>, vector<16xf32>,
    %broadcast_in_dim3A_25 = arith.constant 0.000000e+00 : f32
    %broadcast_in_dim3A_26 = vector.broadcast %broadcast_in_dim3A_25 : f32 to vector<16xf32>
    %swap3A_27 = arith.constant 64 : index
    %swap3A_28 = tpu.vector_load %arg7[%swap3A_27] {strides = array<i32>} : memref<640xf32, #tpu.memory_space<vmem>>, vector<16xf32>,
    %swap3A_29 = vector.shape_cast %swap3A_28 : vector<16xf32> to vector<16xf32>
    %swap3A_30 = vector.shape_cast %broadcast_in_dim3A_26 : vector<16xf32> to vector<16xf32>
    tpu.vector_store %arg7[%swap3A_27], %swap3A_30 {strides = array<i32>} : memref<640xf32, #tpu.memory_space<vmem>>, vector<16xf32>,
    %broadcast_in_dim3A_31 = arith.constant 0.000000e+00 : f32
    %broadcast_in_dim3A_32 = vector.broadcast %broadcast_in_dim3A_31 : f32 to vector<16xf32>
    %swap3A_33 = arith.constant 80 : index
    %swap3A_34 = tpu.vector_load %arg7[%swap3A_33] {strides = array<i32>} : memref<640xf32, #tpu.memory_space<vmem>>, vector<16xf32>,
    %swap3A_35 = vector.shape_cast %swap3A_34 : vector<16xf32> to vector<16xf32>
    %swap3A_36 = vector.shape_cast %broadcast_in_dim3A_32 : vector<16xf32> to vector<16xf32>
    tpu.vector_store %arg7[%swap3A_33], %swap3A_36 {strides = array<i32>} : memref<640xf32, #tpu.memory_space<vmem>>, vector<16xf32>,
    %broadcast_in_dim3A_37 = arith.constant 0.000000e+00 : f32
    %broadcast_in_dim3A_38 = vector.broadcast %broadcast_in_dim3A_37 : f32 to vector<16xf32>
    %swap3A_39 = arith.constant 96 : index
    %swap3A_40 = tpu.vector_load %arg7[%swap3A_39] {strides = array<i32>} : memref<640xf32, #tpu.memory_space<vmem>>, vector<16xf32>,
    %swap3A_41 = vector.shape_cast %swap3A_40 : vector<16xf32> to vector<16xf32>
    %swap3A_42 = vector.shape_cast %broadcast_in_dim3A_38 : vector<16xf32> to vector<16xf32>
    tpu.vector_store %arg7[%swap3A_39], %swap3A_42 {strides = array<i32>} : memref<640xf32, #tpu.memory_space<vmem>>, vector<16xf32>,
    %broadcast_in_dim3A_43 = arith.constant 0.000000e+00 : f32
    %broadcast_in_dim3A_44 = vector.broadcast %broadcast_in_dim3A_43 : f32 to vector<16xf32>
    %swap3A_45 = arith.constant 112 : index
    %swap3A_46 = tpu.vector_load %arg7[%swap3A_45] {strides = array<i32>} : memref<640xf32, #tpu.memory_space<vmem>>, vector<16xf32>,
    %swap3A_47 = vector.shape_cast %swap3A_46 : vector<16xf32> to vector<16xf32>
    %swap3A_48 = vector.shape_cast %broadcast_in_dim3A_44 : vector<16xf32> to vector<16xf32>
    tpu.vector_store %arg7[%swap3A_45], %swap3A_48 {strides = array<i32>} : memref<640xf32, #tpu.memory_space<vmem>>, vector<16xf32>,
    %broadcast_in_dim3A_49 = arith.constant 0.000000e+00 : f32
    %broadcast_in_dim3A_50 = vector.broadcast %broadcast_in_dim3A_49 : f32 to vector<16xf32>
    %swap3A_51 = arith.constant 128 : index
    %swap3A_52 = tpu.vector_load %arg7[%swap3A_51] {strides = array<i32>} : memref<640xf32, #tpu.memory_space<vmem>>, vector<16xf32>,
    %swap3A_53 = vector.shape_cast %swap3A_52 : vector<16xf32> to vector<16xf32>
    %swap3A_54 = vector.shape_cast %broadcast_in_dim3A_50 : vector<16xf32> to vector<16xf32>
    tpu.vector_store %arg7[%swap3A_51], %swap3A_54 {strides = array<i32>} : memref<640xf32, #tpu.memory_space<vmem>>, vector<16xf32>,
    %broadcast_in_dim3A_55 = arith.constant 0.000000e+00 : f32
    %broadcast_in_dim3A_56 = vector.broadcast %broadcast_in_dim3A_55 : f32 to vector<16xf32>
    %swap3A_57 = arith.constant 144 : index
    %swap3A_58 = tpu.vector_load %arg7[%swap3A_57] {strides = array<i32>} : memref<640xf32, #tpu.memory_space<vmem>>, vector<16xf32>,
    %swap3A_59 = vector.shape_cast %swap3A_58 : vector<16xf32> to vector<16xf32>
    %swap3A_60 = vector.shape_cast %broadcast_in_dim3A_56 : vector<16xf32> to vector<16xf32>
    tpu.vector_store %arg7[%swap3A_57], %swap3A_60 {strides = array<i32>} : memref<640xf32, #tpu.memory_space<vmem>>, vector<16xf32>,
    %broadcast_in_dim3A_61 = arith.constant 0.000000e+00 : f32
    %broadcast_in_dim3A_62 = vector.broadcast %broadcast_in_dim3A_61 : f32 to vector<16xf32>
    %swap3A_63 = arith.constant 160 : index
    %swap3A_64 = tpu.vector_load %arg7[%swap3A_63] {strides = array<i32>} : memref<640xf32, #tpu.memory_space<vmem>>, vector<16xf32>,
    %swap3A_65 = vector.shape_cast %swap3A_64 : vector<16xf32> to vector<16xf32>
    %swap3A_66 = vector.shape_cast %broadcast_in_dim3A_62 : vector<16xf32> to vector<16xf32>
    tpu.vector_store %arg7[%swap3A_63], %swap3A_66 {strides = array<i32>} : memref<640xf32, #tpu.memory_space<vmem>>, vector<16xf32>,
    %broadcast_in_dim3A_67 = arith.constant 0.000000e+00 : f32
    %broadcast_in_dim3A_68 = vector.broadcast %broadcast_in_dim3A_67 : f32 to vector<16xf32>
    %swap3A_69 = arith.constant 176 : index
    %swap3A_70 = tpu.vector_load %arg7[%swap3A_69] {strides = array<i32>} : memref<640xf32, #tpu.memory_space<vmem>>, vector<16xf32>,
    %swap3A_71 = vector.shape_cast %swap3A_70 : vector<16xf32> to vector<16xf32>
    %swap3A_72 = vector.shape_cast %broadcast_in_dim3A_68 : vector<16xf32> to vector<16xf32>
    tpu.vector_store %arg7[%swap3A_69], %swap3A_72 {strides = array<i32>} : memref<640xf32, #tpu.memory_space<vmem>>, vector<16xf32>,
    %broadcast_in_dim3A_73 = arith.constant 0.000000e+00 : f32
    %broadcast_in_dim3A_74 = vector.broadcast %broadcast_in_dim3A_73 : f32 to vector<16xf32>
    %swap3A_75 = arith.constant 192 : index
    %swap3A_76 = tpu.vector_load %arg7[%swap3A_75] {strides = array<i32>} : memref<640xf32, #tpu.memory_space<vmem>>, vector<16xf32>,
    %swap3A_77 = vector.shape_cast %swap3A_76 : vector<16xf32> to vector<16xf32>
    %swap3A_78 = vector.shape_cast %broadcast_in_dim3A_74 : vector<16xf32> to vector<16xf32>
    tpu.vector_store %arg7[%swap3A_75], %swap3A_78 {strides = array<i32>} : memref<640xf32, #tpu.memory_space<vmem>>, vector<16xf32>,
    %broadcast_in_dim3A_79 = arith.constant 0.000000e+00 : f32
    %broadcast_in_dim3A_80 = vector.broadcast %broadcast_in_dim3A_79 : f32 to vector<16xf32>
    %swap3A_81 = arith.constant 208 : index
    %swap3A_82 = tpu.vector_load %arg7[%swap3A_81] {strides = array<i32>} : memref<640xf32, #tpu.memory_space<vmem>>, vector<16xf32>,
    %swap3A_83 = vector.shape_cast %swap3A_82 : vector<16xf32> to vector<16xf32>
    %swap3A_84 = vector.shape_cast %broadcast_in_dim3A_80 : vector<16xf32> to vector<16xf32>
    tpu.vector_store %arg7[%swap3A_81], %swap3A_84 {strides = array<i32>} : memref<640xf32, #tpu.memory_space<vmem>>, vector<16xf32>,
    %broadcast_in_dim3A_85 = arith.constant 0.000000e+00 : f32
    %broadcast_in_dim3A_86 = vector.broadcast %broadcast_in_dim3A_85 : f32 to vector<16xf32>
    %swap3A_87 = arith.constant 224 : index
    %swap3A_88 = tpu.vector_load %arg7[%swap3A_87] {strides = array<i32>} : memref<640xf32, #tpu.memory_space<vmem>>, vector<16xf32>,
    %swap3A_89 = vector.shape_cast %swap3A_88 : vector<16xf32> to vector<16xf32>
    %swap3A_90 = vector.shape_cast %broadcast_in_dim3A_86 : vector<16xf32> to vector<16xf32>
    tpu.vector_store %arg7[%swap3A_87], %swap3A_90 {strides = array<i32>} : memref<640xf32, #tpu.memory_space<vmem>>, vector<16xf32>,
    %broadcast_in_dim3A_91 = arith.constant 0.000000e+00 : f32
    %broadcast_in_dim3A_92 = vector.broadcast %broadcast_in_dim3A_91 : f32 to vector<16xf32>
    %swap3A_93 = arith.constant 240 : index
    %swap3A_94 = tpu.vector_load %arg7[%swap3A_93] {strides = array<i32>} : memref<640xf32, #tpu.memory_space<vmem>>, vector<16xf32>,
    %swap3A_95 = vector.shape_cast %swap3A_94 : vector<16xf32> to vector<16xf32>
    %swap3A_96 = vector.shape_cast %broadcast_in_dim3A_92 : vector<16xf32> to vector<16xf32>
    tpu.vector_store %arg7[%swap3A_93], %swap3A_96 {strides = array<i32>} : memref<640xf32, #tpu.memory_space<vmem>>, vector<16xf32>,
    %broadcast_in_dim3A_97 = arith.constant 0.000000e+00 : f32
    %broadcast_in_dim3A_98 = vector.broadcast %broadcast_in_dim3A_97 : f32 to vector<16xf32>
    %swap3A_99 = arith.constant 256 : index
    %swap3A_100 = tpu.vector_load %arg7[%swap3A_99] {strides = array<i32>} : memref<640xf32, #tpu.memory_space<vmem>>, vector<16xf32>,
    %swap3A_101 = vector.shape_cast %swap3A_100 : vector<16xf32> to vector<16xf32>
    %swap3A_102 = vector.shape_cast %broadcast_in_dim3A_98 : vector<16xf32> to vector<16xf32>
    tpu.vector_store %arg7[%swap3A_99], %swap3A_102 {strides = array<i32>} : memref<640xf32, #tpu.memory_space<vmem>>, vector<16xf32>,
    %broadcast_in_dim3A_103 = arith.constant 0.000000e+00 : f32
    %broadcast_in_dim3A_104 = vector.broadcast %broadcast_in_dim3A_103 : f32 to vector<16xf32>
    %swap3A_105 = arith.constant 272 : index
    %swap3A_106 = tpu.vector_load %arg7[%swap3A_105] {strides = array<i32>} : memref<640xf32, #tpu.memory_space<vmem>>, vector<16xf32>,
    %swap3A_107 = vector.shape_cast %swap3A_106 : vector<16xf32> to vector<16xf32>
    %swap3A_108 = vector.shape_cast %broadcast_in_dim3A_104 : vector<16xf32> to vector<16xf32>
    tpu.vector_store %arg7[%swap3A_105], %swap3A_108 {strides = array<i32>} : memref<640xf32, #tpu.memory_space<vmem>>, vector<16xf32>,
    %broadcast_in_dim3A_109 = arith.constant 0.000000e+00 : f32
    %broadcast_in_dim3A_110 = vector.broadcast %broadcast_in_dim3A_109 : f32 to vector<16xf32>
    %swap3A_111 = arith.constant 288 : index
    %swap3A_112 = tpu.vector_load %arg7[%swap3A_111] {strides = array<i32>} : memref<640xf32, #tpu.memory_space<vmem>>, vector<16xf32>,
    %swap3A_113 = vector.shape_cast %swap3A_112 : vector<16xf32> to vector<16xf32>
    %swap3A_114 = vector.shape_cast %broadcast_in_dim3A_110 : vector<16xf32> to vector<16xf32>
    tpu.vector_store %arg7[%swap3A_111], %swap3A_114 {strides = array<i32>} : memref<640xf32, #tpu.memory_space<vmem>>, vector<16xf32>,
    %broadcast_in_dim3A_115 = arith.constant 0.000000e+00 : f32
    %broadcast_in_dim3A_116 = vector.broadcast %broadcast_in_dim3A_115 : f32 to vector<16xf32>
    %swap3A_117 = arith.constant 304 : index
    %swap3A_118 = tpu.vector_load %arg7[%swap3A_117] {strides = array<i32>} : memref<640xf32, #tpu.memory_space<vmem>>, vector<16xf32>,
    %swap3A_119 = vector.shape_cast %swap3A_118 : vector<16xf32> to vector<16xf32>
    %swap3A_120 = vector.shape_cast %broadcast_in_dim3A_116 : vector<16xf32> to vector<16xf32>
    tpu.vector_store %arg7[%swap3A_117], %swap3A_120 {strides = array<i32>} : memref<640xf32, #tpu.memory_space<vmem>>, vector<16xf32>,
    %broadcast_in_dim3A_121 = arith.constant 0.000000e+00 : f32
    %broadcast_in_dim3A_122 = vector.broadcast %broadcast_in_dim3A_121 : f32 to vector<16xf32>
    %swap3A_123 = arith.constant 320 : index
    %swap3A_124 = tpu.vector_load %arg7[%swap3A_123] {strides = array<i32>} : memref<640xf32, #tpu.memory_space<vmem>>, vector<16xf32>,
    %swap3A_125 = vector.shape_cast %swap3A_124 : vector<16xf32> to vector<16xf32>
    %swap3A_126 = vector.shape_cast %broadcast_in_dim3A_122 : vector<16xf32> to vector<16xf32>
    tpu.vector_store %arg7[%swap3A_123], %swap3A_126 {strides = array<i32>} : memref<640xf32, #tpu.memory_space<vmem>>, vector<16xf32>,
    %broadcast_in_dim3A_127 = arith.constant 0.000000e+00 : f32
    %broadcast_in_dim3A_128 = vector.broadcast %broadcast_in_dim3A_127 : f32 to vector<16xf32>
    %swap3A_129 = arith.constant 336 : index
    %swap3A_130 = tpu.vector_load %arg7[%swap3A_129] {strides = array<i32>} : memref<640xf32, #tpu.memory_space<vmem>>, vector<16xf32>,
    %swap3A_131 = vector.shape_cast %swap3A_130 : vector<16xf32> to vector<16xf32>
    %swap3A_132 = vector.shape_cast %broadcast_in_dim3A_128 : vector<16xf32> to vector<16xf32>
    tpu.vector_store %arg7[%swap3A_129], %swap3A_132 {strides = array<i32>} : memref<640xf32, #tpu.memory_space<vmem>>, vector<16xf32>,
    %broadcast_in_dim3A_133 = arith.constant 0.000000e+00 : f32
    %broadcast_in_dim3A_134 = vector.broadcast %broadcast_in_dim3A_133 : f32 to vector<16xf32>
    %swap3A_135 = arith.constant 352 : index
    %swap3A_136 = tpu.vector_load %arg7[%swap3A_135] {strides = array<i32>} : memref<640xf32, #tpu.memory_space<vmem>>, vector<16xf32>,
    %swap3A_137 = vector.shape_cast %swap3A_136 : vector<16xf32> to vector<16xf32>
    %swap3A_138 = vector.shape_cast %broadcast_in_dim3A_134 : vector<16xf32> to vector<16xf32>
    tpu.vector_store %arg7[%swap3A_135], %swap3A_138 {strides = array<i32>} : memref<640xf32, #tpu.memory_space<vmem>>, vector<16xf32>,
    %broadcast_in_dim3A_139 = arith.constant 0.000000e+00 : f32
    %broadcast_in_dim3A_140 = vector.broadcast %broadcast_in_dim3A_139 : f32 to vector<16xf32>
    %swap3A_141 = arith.constant 368 : index
    %swap3A_142 = tpu.vector_load %arg7[%swap3A_141] {strides = array<i32>} : memref<640xf32, #tpu.memory_space<vmem>>, vector<16xf32>,
    %swap3A_143 = vector.shape_cast %swap3A_142 : vector<16xf32> to vector<16xf32>
    %swap3A_144 = vector.shape_cast %broadcast_in_dim3A_140 : vector<16xf32> to vector<16xf32>
    tpu.vector_store %arg7[%swap3A_141], %swap3A_144 {strides = array<i32>} : memref<640xf32, #tpu.memory_space<vmem>>, vector<16xf32>,
    %broadcast_in_dim3A_145 = arith.constant 0.000000e+00 : f32
    %broadcast_in_dim3A_146 = vector.broadcast %broadcast_in_dim3A_145 : f32 to vector<16xf32>
    %swap3A_147 = arith.constant 384 : index
    %swap3A_148 = tpu.vector_load %arg7[%swap3A_147] {strides = array<i32>} : memref<640xf32, #tpu.memory_space<vmem>>, vector<16xf32>,
    %swap3A_149 = vector.shape_cast %swap3A_148 : vector<16xf32> to vector<16xf32>
    %swap3A_150 = vector.shape_cast %broadcast_in_dim3A_146 : vector<16xf32> to vector<16xf32>
    tpu.vector_store %arg7[%swap3A_147], %swap3A_150 {strides = array<i32>} : memref<640xf32, #tpu.memory_space<vmem>>, vector<16xf32>,
    %broadcast_in_dim3A_151 = arith.constant 0.000000e+00 : f32
    %broadcast_in_dim3A_152 = vector.broadcast %broadcast_in_dim3A_151 : f32 to vector<16xf32>
    %swap3A_153 = arith.constant 400 : index
    %swap3A_154 = tpu.vector_load %arg7[%swap3A_153] {strides = array<i32>} : memref<640xf32, #tpu.memory_space<vmem>>, vector<16xf32>,
    %swap3A_155 = vector.shape_cast %swap3A_154 : vector<16xf32> to vector<16xf32>
    %swap3A_156 = vector.shape_cast %broadcast_in_dim3A_152 : vector<16xf32> to vector<16xf32>
    tpu.vector_store %arg7[%swap3A_153], %swap3A_156 {strides = array<i32>} : memref<640xf32, #tpu.memory_space<vmem>>, vector<16xf32>,
    %broadcast_in_dim3A_157 = arith.constant 0.000000e+00 : f32
    %broadcast_in_dim3A_158 = vector.broadcast %broadcast_in_dim3A_157 : f32 to vector<16xf32>
    %swap3A_159 = arith.constant 416 : index
    %swap3A_160 = tpu.vector_load %arg7[%swap3A_159] {strides = array<i32>} : memref<640xf32, #tpu.memory_space<vmem>>, vector<16xf32>,
    %swap3A_161 = vector.shape_cast %swap3A_160 : vector<16xf32> to vector<16xf32>
    %swap3A_162 = vector.shape_cast %broadcast_in_dim3A_158 : vector<16xf32> to vector<16xf32>
    tpu.vector_store %arg7[%swap3A_159], %swap3A_162 {strides = array<i32>} : memref<640xf32, #tpu.memory_space<vmem>>, vector<16xf32>,
    %broadcast_in_dim3A_163 = arith.constant 0.000000e+00 : f32
    %broadcast_in_dim3A_164 = vector.broadcast %broadcast_in_dim3A_163 : f32 to vector<16xf32>
    %swap3A_165 = arith.constant 432 : index
    %swap3A_166 = tpu.vector_load %arg7[%swap3A_165] {strides = array<i32>} : memref<640xf32, #tpu.memory_space<vmem>>, vector<16xf32>,
    %swap3A_167 = vector.shape_cast %swap3A_166 : vector<16xf32> to vector<16xf32>
    %swap3A_168 = vector.shape_cast %broadcast_in_dim3A_164 : vector<16xf32> to vector<16xf32>
    tpu.vector_store %arg7[%swap3A_165], %swap3A_168 {strides = array<i32>} : memref<640xf32, #tpu.memory_space<vmem>>, vector<16xf32>,
    %broadcast_in_dim3A_169 = arith.constant 0.000000e+00 : f32
    %broadcast_in_dim3A_170 = vector.broadcast %broadcast_in_dim3A_169 : f32 to vector<16xf32>
    %swap3A_171 = arith.constant 448 : index
    %swap3A_172 = tpu.vector_load %arg7[%swap3A_171] {strides = array<i32>} : memref<640xf32, #tpu.memory_space<vmem>>, vector<16xf32>,
    %swap3A_173 = vector.shape_cast %swap3A_172 : vector<16xf32> to vector<16xf32>
    %swap3A_174 = vector.shape_cast %broadcast_in_dim3A_170 : vector<16xf32> to vector<16xf32>
    tpu.vector_store %arg7[%swap3A_171], %swap3A_174 {strides = array<i32>} : memref<640xf32, #tpu.memory_space<vmem>>, vector<16xf32>,
    %broadcast_in_dim3A_175 = arith.constant 0.000000e+00 : f32
    %broadcast_in_dim3A_176 = vector.broadcast %broadcast_in_dim3A_175 : f32 to vector<16xf32>
    %swap3A_177 = arith.constant 464 : index
    %swap3A_178 = tpu.vector_load %arg7[%swap3A_177] {strides = array<i32>} : memref<640xf32, #tpu.memory_space<vmem>>, vector<16xf32>,
    %swap3A_179 = vector.shape_cast %swap3A_178 : vector<16xf32> to vector<16xf32>
    %swap3A_180 = vector.shape_cast %broadcast_in_dim3A_176 : vector<16xf32> to vector<16xf32>
    tpu.vector_store %arg7[%swap3A_177], %swap3A_180 {strides = array<i32>} : memref<640xf32, #tpu.memory_space<vmem>>, vector<16xf32>,
    %broadcast_in_dim3A_181 = arith.constant 0.000000e+00 : f32
    %broadcast_in_dim3A_182 = vector.broadcast %broadcast_in_dim3A_181 : f32 to vector<16xf32>
    %swap3A_183 = arith.constant 480 : index
    %swap3A_184 = tpu.vector_load %arg7[%swap3A_183] {strides = array<i32>} : memref<640xf32, #tpu.memory_space<vmem>>, vector<16xf32>,
    %swap3A_185 = vector.shape_cast %swap3A_184 : vector<16xf32> to vector<16xf32>
    %swap3A_186 = vector.shape_cast %broadcast_in_dim3A_182 : vector<16xf32> to vector<16xf32>
    tpu.vector_store %arg7[%swap3A_183], %swap3A_186 {strides = array<i32>} : memref<640xf32, #tpu.memory_space<vmem>>, vector<16xf32>,
    %broadcast_in_dim3A_187 = arith.constant 0.000000e+00 : f32
    %broadcast_in_dim3A_188 = vector.broadcast %broadcast_in_dim3A_187 : f32 to vector<16xf32>
    %swap3A_189 = arith.constant 496 : index
    %swap3A_190 = tpu.vector_load %arg7[%swap3A_189] {strides = array<i32>} : memref<640xf32, #tpu.memory_space<vmem>>, vector<16xf32>,
    %swap3A_191 = vector.shape_cast %swap3A_190 : vector<16xf32> to vector<16xf32>
    %swap3A_192 = vector.shape_cast %broadcast_in_dim3A_188 : vector<16xf32> to vector<16xf32>
    tpu.vector_store %arg7[%swap3A_189], %swap3A_192 {strides = array<i32>} : memref<640xf32, #tpu.memory_space<vmem>>, vector<16xf32>,
    %broadcast_in_dim3A_193 = arith.constant 0.000000e+00 : f32
    %broadcast_in_dim3A_194 = vector.broadcast %broadcast_in_dim3A_193 : f32 to vector<16xf32>
    %swap3A_195 = arith.constant 512 : index
    %swap3A_196 = tpu.vector_load %arg7[%swap3A_195] {strides = array<i32>} : memref<640xf32, #tpu.memory_space<vmem>>, vector<16xf32>,
    %swap3A_197 = vector.shape_cast %swap3A_196 : vector<16xf32> to vector<16xf32>
    %swap3A_198 = vector.shape_cast %broadcast_in_dim3A_194 : vector<16xf32> to vector<16xf32>
    tpu.vector_store %arg7[%swap3A_195], %swap3A_198 {strides = array<i32>} : memref<640xf32, #tpu.memory_space<vmem>>, vector<16xf32>,
    %broadcast_in_dim3A_199 = arith.constant 0.000000e+00 : f32
    %broadcast_in_dim3A_200 = vector.broadcast %broadcast_in_dim3A_199 : f32 to vector<16xf32>
    %swap3A_201 = arith.constant 528 : index
    %swap3A_202 = tpu.vector_load %arg7[%swap3A_201] {strides = array<i32>} : memref<640xf32, #tpu.memory_space<vmem>>, vector<16xf32>,
    %swap3A_203 = vector.shape_cast %swap3A_202 : vector<16xf32> to vector<16xf32>
    %swap3A_204 = vector.shape_cast %broadcast_in_dim3A_200 : vector<16xf32> to vector<16xf32>
    tpu.vector_store %arg7[%swap3A_201], %swap3A_204 {strides = array<i32>} : memref<640xf32, #tpu.memory_space<vmem>>, vector<16xf32>,
    %broadcast_in_dim3A_205 = arith.constant 0.000000e+00 : f32
    %broadcast_in_dim3A_206 = vector.broadcast %broadcast_in_dim3A_205 : f32 to vector<16xf32>
    %swap3A_207 = arith.constant 544 : index
    %swap3A_208 = tpu.vector_load %arg7[%swap3A_207] {strides = array<i32>} : memref<640xf32, #tpu.memory_space<vmem>>, vector<16xf32>,
    %swap3A_209 = vector.shape_cast %swap3A_208 : vector<16xf32> to vector<16xf32>
    %swap3A_210 = vector.shape_cast %broadcast_in_dim3A_206 : vector<16xf32> to vector<16xf32>
    tpu.vector_store %arg7[%swap3A_207], %swap3A_210 {strides = array<i32>} : memref<640xf32, #tpu.memory_space<vmem>>, vector<16xf32>,
    %broadcast_in_dim3A_211 = arith.constant 0.000000e+00 : f32
    %broadcast_in_dim3A_212 = vector.broadcast %broadcast_in_dim3A_211 : f32 to vector<16xf32>
    %swap3A_213 = arith.constant 560 : index
    %swap3A_214 = tpu.vector_load %arg7[%swap3A_213] {strides = array<i32>} : memref<640xf32, #tpu.memory_space<vmem>>, vector<16xf32>,
    %swap3A_215 = vector.shape_cast %swap3A_214 : vector<16xf32> to vector<16xf32>
    %swap3A_216 = vector.shape_cast %broadcast_in_dim3A_212 : vector<16xf32> to vector<16xf32>
    tpu.vector_store %arg7[%swap3A_213], %swap3A_216 {strides = array<i32>} : memref<640xf32, #tpu.memory_space<vmem>>, vector<16xf32>,
    %broadcast_in_dim3A_217 = arith.constant 0.000000e+00 : f32
    %broadcast_in_dim3A_218 = vector.broadcast %broadcast_in_dim3A_217 : f32 to vector<16xf32>
    %swap3A_219 = arith.constant 576 : index
    %swap3A_220 = tpu.vector_load %arg7[%swap3A_219] {strides = array<i32>} : memref<640xf32, #tpu.memory_space<vmem>>, vector<16xf32>,
    %swap3A_221 = vector.shape_cast %swap3A_220 : vector<16xf32> to vector<16xf32>
    %swap3A_222 = vector.shape_cast %broadcast_in_dim3A_218 : vector<16xf32> to vector<16xf32>
    tpu.vector_store %arg7[%swap3A_219], %swap3A_222 {strides = array<i32>} : memref<640xf32, #tpu.memory_space<vmem>>, vector<16xf32>,
    %broadcast_in_dim3A_223 = arith.constant 0.000000e+00 : f32
    %broadcast_in_dim3A_224 = vector.broadcast %broadcast_in_dim3A_223 : f32 to vector<16xf32>
    %swap3A_225 = arith.constant 592 : index
    %swap3A_226 = tpu.vector_load %arg7[%swap3A_225] {strides = array<i32>} : memref<640xf32, #tpu.memory_space<vmem>>, vector<16xf32>,
    %swap3A_227 = vector.shape_cast %swap3A_226 : vector<16xf32> to vector<16xf32>
    %swap3A_228 = vector.shape_cast %broadcast_in_dim3A_224 : vector<16xf32> to vector<16xf32>
    tpu.vector_store %arg7[%swap3A_225], %swap3A_228 {strides = array<i32>} : memref<640xf32, #tpu.memory_space<vmem>>, vector<16xf32>,
    %broadcast_in_dim3A_229 = arith.constant 0.000000e+00 : f32
    %broadcast_in_dim3A_230 = vector.broadcast %broadcast_in_dim3A_229 : f32 to vector<16xf32>
    %swap3A_231 = arith.constant 608 : index
    %swap3A_232 = tpu.vector_load %arg7[%swap3A_231] {strides = array<i32>} : memref<640xf32, #tpu.memory_space<vmem>>, vector<16xf32>,
    %swap3A_233 = vector.shape_cast %swap3A_232 : vector<16xf32> to vector<16xf32>
    %swap3A_234 = vector.shape_cast %broadcast_in_dim3A_230 : vector<16xf32> to vector<16xf32>
    tpu.vector_store %arg7[%swap3A_231], %swap3A_234 {strides = array<i32>} : memref<640xf32, #tpu.memory_space<vmem>>, vector<16xf32>,
    %broadcast_in_dim3A_235 = arith.constant 0.000000e+00 : f32
    %broadcast_in_dim3A_236 = vector.broadcast %broadcast_in_dim3A_235 : f32 to vector<16xf32>
    %swap3A_237 = arith.constant 624 : index
    %swap3A_238 = tpu.vector_load %arg7[%swap3A_237] {strides = array<i32>} : memref<640xf32, #tpu.memory_space<vmem>>, vector<16xf32>,
    %swap3A_239 = vector.shape_cast %swap3A_238 : vector<16xf32> to vector<16xf32>
    %swap3A_240 = vector.shape_cast %broadcast_in_dim3A_236 : vector<16xf32> to vector<16xf32>
    tpu.vector_store %arg7[%swap3A_237], %swap3A_240 {strides = array<i32>} : memref<640xf32, #tpu.memory_space<vmem>>, vector<16xf32>,
    "tpu.region"() ({
      %run_scoped3A = tpu.sem_alloc : memref<!tpu.dma_semaphore, #tpu.memory_space<semaphore_mem>>
      %dma_start3A = tpu.memref_slice %arg8[%mul3A_2] : memref<10240xf32, #tpu.memory_space<vmem_shared>> -> memref<640xf32, #tpu.memory_space<vmem_shared>>
      %dma_start3A_301 = tpu.memref_slice %arg8[%mul3A_2] : memref<10240xf32, #tpu.memory_space<vmem_shared>> -> memref<640xf32, #tpu.memory_space<vmem_shared>>
      tpu.enqueue_dma source(%arg7 : memref<640xf32, #tpu.memory_space<vmem>>) target(%dma_start3A_301 : memref<640xf32, #tpu.memory_space<vmem_shared>>) target_semaphore(%run_scoped3A : memref<!tpu.dma_semaphore, #tpu.memory_space<semaphore_mem>>)
      %dma_wait3A = tpu.memref_slice %arg8[%mul3A_2] : memref<10240xf32, #tpu.memory_space<vmem_shared>> -> memref<640xf32, #tpu.memory_space<vmem_shared>>
      %dma_wait3A_302 = tpu.memref_slice %arg8[%mul3A_2] : memref<10240xf32, #tpu.memory_space<vmem_shared>> -> memref<640xf32, #tpu.memory_space<vmem_shared>>
      tpu.wait_dma2 semaphore(%run_scoped3A : memref<!tpu.dma_semaphore, #tpu.memory_space<semaphore_mem>>) src(%arg7 : memref<640xf32, #tpu.memory_space<vmem>>) dst(%dma_wait3A_302 : memref<640xf32, #tpu.memory_space<vmem_shared>>)
      tpu.yield
    }) : () -> ()
    %broadcast_in_dim3A_241 = arith.constant 1.000000e+00 : f32
    %broadcast_in_dim3A_242 = vector.broadcast %broadcast_in_dim3A_241 : f32 to vector<16xf32>
    %swap3A_243 = arith.constant 0 : index
    %swap3A_244 = tpu.vector_load %arg6[%swap3A_243] {strides = array<i32>} : memref<128xf32, #tpu.memory_space<vmem>>, vector<16xf32>,
    %swap3A_245 = vector.shape_cast %swap3A_244 : vector<16xf32> to vector<16xf32>
    %swap3A_246 = vector.shape_cast %broadcast_in_dim3A_242 : vector<16xf32> to vector<16xf32>
    tpu.vector_store %arg6[%swap3A_243], %swap3A_246 {strides = array<i32>} : memref<128xf32, #tpu.memory_space<vmem>>, vector<16xf32>,
    %broadcast_in_dim3A_247 = arith.constant 1.000000e+00 : f32
    %broadcast_in_dim3A_248 = vector.broadcast %broadcast_in_dim3A_247 : f32 to vector<16xf32>
    %swap3A_249 = arith.constant 16 : index
    %swap3A_250 = tpu.vector_load %arg6[%swap3A_249] {strides = array<i32>} : memref<128xf32, #tpu.memory_space<vmem>>, vector<16xf32>,
    %swap3A_251 = vector.shape_cast %swap3A_250 : vector<16xf32> to vector<16xf32>
    %swap3A_252 = vector.shape_cast %broadcast_in_dim3A_248 : vector<16xf32> to vector<16xf32>
    tpu.vector_store %arg6[%swap3A_249], %swap3A_252 {strides = array<i32>} : memref<128xf32, #tpu.memory_space<vmem>>, vector<16xf32>,
    %broadcast_in_dim3A_253 = arith.constant 1.000000e+00 : f32
    %broadcast_in_dim3A_254 = vector.broadcast %broadcast_in_dim3A_253 : f32 to vector<16xf32>
    %swap3A_255 = arith.constant 32 : index
    %swap3A_256 = tpu.vector_load %arg6[%swap3A_255] {strides = array<i32>} : memref<128xf32, #tpu.memory_space<vmem>>, vector<16xf32>,
    %swap3A_257 = vector.shape_cast %swap3A_256 : vector<16xf32> to vector<16xf32>
    %swap3A_258 = vector.shape_cast %broadcast_in_dim3A_254 : vector<16xf32> to vector<16xf32>
    tpu.vector_store %arg6[%swap3A_255], %swap3A_258 {strides = array<i32>} : memref<128xf32, #tpu.memory_space<vmem>>, vector<16xf32>,
    %broadcast_in_dim3A_259 = arith.constant 1.000000e+00 : f32
    %broadcast_in_dim3A_260 = vector.broadcast %broadcast_in_dim3A_259 : f32 to vector<16xf32>
    %swap3A_261 = arith.constant 48 : index
    %swap3A_262 = tpu.vector_load %arg6[%swap3A_261] {strides = array<i32>} : memref<128xf32, #tpu.memory_space<vmem>>, vector<16xf32>,
    %swap3A_263 = vector.shape_cast %swap3A_262 : vector<16xf32> to vector<16xf32>
    %swap3A_264 = vector.shape_cast %broadcast_in_dim3A_260 : vector<16xf32> to vector<16xf32>
    tpu.vector_store %arg6[%swap3A_261], %swap3A_264 {strides = array<i32>} : memref<128xf32, #tpu.memory_space<vmem>>, vector<16xf32>,
    %broadcast_in_dim3A_265 = arith.constant 1.000000e+00 : f32
    %broadcast_in_dim3A_266 = vector.broadcast %broadcast_in_dim3A_265 : f32 to vector<16xf32>
    %swap3A_267 = arith.constant 64 : index
    %swap3A_268 = tpu.vector_load %arg6[%swap3A_267] {strides = array<i32>} : memref<128xf32, #tpu.memory_space<vmem>>, vector<16xf32>,
    %swap3A_269 = vector.shape_cast %swap3A_268 : vector<16xf32> to vector<16xf32>
    %swap3A_270 = vector.shape_cast %broadcast_in_dim3A_266 : vector<16xf32> to vector<16xf32>
    tpu.vector_store %arg6[%swap3A_267], %swap3A_270 {strides = array<i32>} : memref<128xf32, #tpu.memory_space<vmem>>, vector<16xf32>,
    %broadcast_in_dim3A_271 = arith.constant 1.000000e+00 : f32
    %broadcast_in_dim3A_272 = vector.broadcast %broadcast_in_dim3A_271 : f32 to vector<16xf32>
    %swap3A_273 = arith.constant 80 : index
    %swap3A_274 = tpu.vector_load %arg6[%swap3A_273] {strides = array<i32>} : memref<128xf32, #tpu.memory_space<vmem>>, vector<16xf32>,
    %swap3A_275 = vector.shape_cast %swap3A_274 : vector<16xf32> to vector<16xf32>
    %swap3A_276 = vector.shape_cast %broadcast_in_dim3A_272 : vector<16xf32> to vector<16xf32>
    tpu.vector_store %arg6[%swap3A_273], %swap3A_276 {strides = array<i32>} : memref<128xf32, #tpu.memory_space<vmem>>, vector<16xf32>,
    %broadcast_in_dim3A_277 = arith.constant 1.000000e+00 : f32
    %broadcast_in_dim3A_278 = vector.broadcast %broadcast_in_dim3A_277 : f32 to vector<16xf32>
    %swap3A_279 = arith.constant 96 : index
    %swap3A_280 = tpu.vector_load %arg6[%swap3A_279] {strides = array<i32>} : memref<128xf32, #tpu.memory_space<vmem>>, vector<16xf32>,
    %swap3A_281 = vector.shape_cast %swap3A_280 : vector<16xf32> to vector<16xf32>
    %swap3A_282 = vector.shape_cast %broadcast_in_dim3A_278 : vector<16xf32> to vector<16xf32>
    tpu.vector_store %arg6[%swap3A_279], %swap3A_282 {strides = array<i32>} : memref<128xf32, #tpu.memory_space<vmem>>, vector<16xf32>,
    %broadcast_in_dim3A_283 = arith.constant 1.000000e+00 : f32
    %broadcast_in_dim3A_284 = vector.broadcast %broadcast_in_dim3A_283 : f32 to vector<16xf32>
    %swap3A_285 = arith.constant 112 : index
    %swap3A_286 = tpu.vector_load %arg6[%swap3A_285] {strides = array<i32>} : memref<128xf32, #tpu.memory_space<vmem>>, vector<16xf32>,
    %swap3A_287 = vector.shape_cast %swap3A_286 : vector<16xf32> to vector<16xf32>
    %swap3A_288 = vector.shape_cast %broadcast_in_dim3A_284 : vector<16xf32> to vector<16xf32>
    tpu.vector_store %arg6[%swap3A_285], %swap3A_288 {strides = array<i32>} : memref<128xf32, #tpu.memory_space<vmem>>, vector<16xf32>,
    %barrier3A = arith.constant 0 : index
    tpu.barrier barrier_id(%barrier3A)
    %scan3A = arith.constant 0 : i32
    %scan3A_289 = arith.constant 0 : i32
    %scan3A_290 = arith.constant 80 : i32
    %scan3A_291 = arith.addi %scan3A_289, %scan3A_290 : i32
    %scan3A_292 = arith.constant 1 : i32
    scf.for %scan3A_301 = %scan3A_289 to %scan3A_291 step %scan3A_292  : i32 {
      "tpu.region"() ({
        %run_scoped3A = tpu.sem_alloc : memref<!tpu.dma_semaphore, #tpu.memory_space<semaphore_mem>>
        %dma_start3A = arith.constant 0 : i32
        %dma_start3A_302 = tpu.memref_slice %arg5[%scan3A_301, %dma_start3A] : memref<80x128xi32, #tpu.memory_space<vmem>> -> memref<1x128xi32, #tpu.memory_space<vmem>>
        %dma_start3A_303 = tpu.memref_squeeze %dma_start3A_302 : memref<1x128xi32, #tpu.memory_space<vmem>> -> memref<128xi32, #tpu.memory_space<vmem>>
        %dma_start3A_304 = arith.constant 0 : i32
        %dma_start3A_305 = tpu.memref_slice %arg8[%dma_start3A_304] : memref<10240xf32, #tpu.memory_space<vmem_shared>> -> memref<10240xf32, #tpu.memory_space<vmem_shared>>
        tpu.enqueue_indirect_dma source(%arg6 : memref<128xf32, #tpu.memory_space<vmem>>) target(%dma_start3A_305 : memref<10240xf32, #tpu.memory_space<vmem_shared>>) offsets(%dma_start3A_303 : memref<128xi32, #tpu.memory_space<vmem>>) semaphore(%run_scoped3A : memref<!tpu.dma_semaphore, #tpu.memory_space<semaphore_mem>>) {add = true}
        %dma_wait3A = arith.constant 0 : i32
        %dma_wait3A_306 = tpu.memref_slice %arg5[%scan3A_301, %dma_wait3A] : memref<80x128xi32, #tpu.memory_space<vmem>> -> memref<1x128xi32, #tpu.memory_space<vmem>>
        %dma_wait3A_307 = tpu.memref_squeeze %dma_wait3A_306 : memref<1x128xi32, #tpu.memory_space<vmem>> -> memref<128xi32, #tpu.memory_space<vmem>>
        %dma_wait3A_308 = arith.constant 0 : i32
        %dma_wait3A_309 = tpu.memref_slice %arg8[%dma_wait3A_308] : memref<10240xf32, #tpu.memory_space<vmem_shared>> -> memref<10240xf32, #tpu.memory_space<vmem_shared>>
        tpu.wait_indirect_dma semaphore(%run_scoped3A : memref<!tpu.dma_semaphore, #tpu.memory_space<semaphore_mem>>) src(%arg6 : memref<128xf32, #tpu.memory_space<vmem>>) dst(%dma_wait3A_309 : memref<10240xf32, #tpu.memory_space<vmem_shared>>)
        tpu.yield
      }) : () -> ()
    }
    %scan3A_293 = arith.constant 80 : i32
    %barrier3A_294 = arith.constant 0 : index
    tpu.barrier barrier_id(%barrier3A_294)
    "tpu.region"() ({
      %run_scoped3A = tpu.sem_alloc : memref<!tpu.dma_semaphore, #tpu.memory_space<semaphore_mem>>
      %dma_start3A = tpu.memref_slice %arg8[%mul3A_2] : memref<10240xf32, #tpu.memory_space<vmem_shared>> -> memref<640xf32, #tpu.memory_space<vmem_shared>>
      %dma_start3A_301 = tpu.memref_slice %arg8[%mul3A_2] : memref<10240xf32, #tpu.memory_space<vmem_shared>> -> memref<640xf32, #tpu.memory_space<vmem_shared>>
      tpu.enqueue_dma source(%dma_start3A_301 : memref<640xf32, #tpu.memory_space<vmem_shared>>) target(%arg7 : memref<640xf32, #tpu.memory_space<vmem>>) target_semaphore(%run_scoped3A : memref<!tpu.dma_semaphore, #tpu.memory_space<semaphore_mem>>)
      %dma_wait3A = tpu.memref_slice %arg8[%mul3A_2] : memref<10240xf32, #tpu.memory_space<vmem_shared>> -> memref<640xf32, #tpu.memory_space<vmem_shared>>
      %dma_wait3A_302 = tpu.memref_slice %arg8[%mul3A_2] : memref<10240xf32, #tpu.memory_space<vmem_shared>> -> memref<640xf32, #tpu.memory_space<vmem_shared>>
      tpu.wait_dma2 semaphore(%run_scoped3A : memref<!tpu.dma_semaphore, #tpu.memory_space<semaphore_mem>>) src(%dma_wait3A_302 : memref<640xf32, #tpu.memory_space<vmem_shared>>) dst(%arg7 : memref<640xf32, #tpu.memory_space<vmem>>)
      tpu.yield
    }) : () -> ()
    %eq3A = arith.constant 0 : i32
    %eq3A_295 = arith.cmpi eq, %arg0, %eq3A : i32
    %convert_element_type3A = arith.extui %eq3A_295 : i1 to i32
    %cond3A = arith.constant 0 : i32
    %cond3A_296 = arith.cmpi ne, %convert_element_type3A, %cond3A : i32
    scf.if %cond3A_296 {
      "tpu.region"() ({
        %run_scoped3A = tpu.sem_alloc : memref<!tpu.dma_semaphore, #tpu.memory_space<semaphore_mem>>
        %dma_start3A = tpu.memref_slice %arg3[%mul3A_2] : memref<10240xf32, #tpu.memory_space<hbm>> -> memref<640xf32, #tpu.memory_space<hbm>>
        %dma_start3A_301 = tpu.memref_slice %arg3[%mul3A_2] : memref<10240xf32, #tpu.memory_space<hbm>> -> memref<640xf32, #tpu.memory_space<hbm>>
        tpu.enqueue_dma source(%arg7 : memref<640xf32, #tpu.memory_space<vmem>>) target(%dma_start3A_301 : memref<640xf32, #tpu.memory_space<hbm>>) target_semaphore(%run_scoped3A : memref<!tpu.dma_semaphore, #tpu.memory_space<semaphore_mem>>)
        %dma_wait3A = tpu.memref_slice %arg3[%mul3A_2] : memref<10240xf32, #tpu.memory_space<hbm>> -> memref<640xf32, #tpu.memory_space<hbm>>
        %dma_wait3A_302 = tpu.memref_slice %arg3[%mul3A_2] : memref<10240xf32, #tpu.memory_space<hbm>> -> memref<640xf32, #tpu.memory_space<hbm>>
        tpu.wait_dma2 semaphore(%run_scoped3A : memref<!tpu.dma_semaphore, #tpu.memory_space<semaphore_mem>>) src(%arg7 : memref<640xf32, #tpu.memory_space<vmem>>) dst(%dma_wait3A_302 : memref<640xf32, #tpu.memory_space<hbm>>)
        tpu.yield
      }) : () -> ()
    } else {
    }
    %ne3A = arith.constant 0 : i32
    %ne3A_297 = arith.cmpi ne, %arg0, %ne3A : i32
    %convert_element_type3A_298 = arith.extui %ne3A_297 : i1 to i32
    %cond3A_299 = arith.constant 0 : i32
    %cond3A_300 = arith.cmpi ne, %convert_element_type3A_298, %cond3A_299 : i32
    scf.if %cond3A_300 {
      "tpu.region"() ({
        %run_scoped3A = tpu.sem_alloc : memref<!tpu.dma_semaphore, #tpu.memory_space<semaphore_mem>>
        %dma_start3A = tpu.memref_slice %arg4[%mul3A_2] : memref<10240xf32, #tpu.memory_space<hbm>> -> memref<640xf32, #tpu.memory_space<hbm>>
        %dma_start3A_301 = tpu.memref_slice %arg4[%mul3A_2] : memref<10240xf32, #tpu.memory_space<hbm>> -> memref<640xf32, #tpu.memory_space<hbm>>
        tpu.enqueue_dma source(%arg7 : memref<640xf32, #tpu.memory_space<vmem>>) target(%dma_start3A_301 : memref<640xf32, #tpu.memory_space<hbm>>) target_semaphore(%run_scoped3A : memref<!tpu.dma_semaphore, #tpu.memory_space<semaphore_mem>>)
        %dma_wait3A = tpu.memref_slice %arg4[%mul3A_2] : memref<10240xf32, #tpu.memory_space<hbm>> -> memref<640xf32, #tpu.memory_space<hbm>>
        %dma_wait3A_302 = tpu.memref_slice %arg4[%mul3A_2] : memref<10240xf32, #tpu.memory_space<hbm>> -> memref<640xf32, #tpu.memory_space<hbm>>
        tpu.wait_dma2 semaphore(%run_scoped3A : memref<!tpu.dma_semaphore, #tpu.memory_space<semaphore_mem>>) src(%arg7 : memref<640xf32, #tpu.memory_space<vmem>>) dst(%dma_wait3A_302 : memref<640xf32, #tpu.memory_space<hbm>>)
        tpu.yield
      }) : () -> ()
    } else {
    }
    return
  }
}

#map = affine_map<(d0, d1) -> (0, 0, 0)>
#map1 = affine_map<(d0, d1) -> (0, 0)>
module attributes {stable_mosaic.version = 14 : i64} {
  func.func @edge_kernel(%arg0: i32, %arg1: i32, %arg2: memref<32x80x128xi32, #tpu.memory_space<hbm>>, %arg3: memref<32x80x128xi32, #tpu.memory_space<hbm>>, %arg4: memref<10112x64xf32, #tpu.memory_space<hbm>>, %arg5: memref<10112x64xf32, #tpu.memory_space<hbm>>, %arg6: memref<10112x64xf32, #tpu.memory_space<hbm>>, %arg7: memref<10112x64xf32, #tpu.memory_space<hbm>>, %arg8: memref<80x128xi32, #tpu.memory_space<vmem>>, %arg9: memref<80x128xi32, #tpu.memory_space<vmem>>, %arg10: memref<128x64xf32, #tpu.memory_space<vmem>>, %arg11: memref<128x64xf32, #tpu.memory_space<vmem>>, %arg12: memref<10112x64xf32, #tpu.memory_space<vmem_shared>>, %arg13: memref<!tpu.dma_semaphore, #tpu.memory_space<semaphore_mem>>, %arg14: memref<!tpu.dma_semaphore, #tpu.memory_space<semaphore_mem>>) attributes {dimension_semantics = [#tpu.dimension_semantics<core_parallel>, #tpu.dimension_semantics<subcore_parallel>], iteration_bounds = array<i64: 2, 16>, scalar_prefetch = 0 : i64, scratch_operands = 7 : i64, tpu.core_type = #tpu.core_type<sc_vector_subcore>, window_params = [{transform_indices = #map}, {transform_indices = #map}, {transform_indices = #map1}, {transform_indices = #map1}, {transform_indices = #map1}, {transform_indices = #map1}]} {
    %mul3A = arith.constant 16 : i32
    %mul3A_0 = arith.muli %arg0, %mul3A : i32
    %add3A = arith.addi %mul3A_0, %arg1 : i32
    %mul3A_1 = arith.constant 632 : i32
    %mul3A_2 = arith.muli %arg1, %mul3A_1 : i32
    %dma_start3A = arith.constant 0 : i32
    %dma_start3A_3 = arith.constant 0 : i32
    %dma_start3A_4 = tpu.memref_slice %arg2[%add3A, %dma_start3A, %dma_start3A_3] : memref<32x80x128xi32, #tpu.memory_space<hbm>> -> memref<1x80x128xi32, #tpu.memory_space<hbm>>
    %dma_start3A_5 = tpu.memref_squeeze %dma_start3A_4 : memref<1x80x128xi32, #tpu.memory_space<hbm>> -> memref<80x128xi32, #tpu.memory_space<hbm>>
    %dma_start3A_6 = arith.constant 0 : i32
    %dma_start3A_7 = arith.constant 0 : i32
    %dma_start3A_8 = tpu.memref_slice %arg2[%add3A, %dma_start3A_6, %dma_start3A_7] : memref<32x80x128xi32, #tpu.memory_space<hbm>> -> memref<1x80x128xi32, #tpu.memory_space<hbm>>
    %dma_start3A_9 = tpu.memref_squeeze %dma_start3A_8 : memref<1x80x128xi32, #tpu.memory_space<hbm>> -> memref<80x128xi32, #tpu.memory_space<hbm>>
    tpu.enqueue_dma source(%dma_start3A_9 : memref<80x128xi32, #tpu.memory_space<hbm>>) target(%arg8 : memref<80x128xi32, #tpu.memory_space<vmem>>) target_semaphore(%arg13 : memref<!tpu.dma_semaphore, #tpu.memory_space<semaphore_mem>>)
    %dma_start3A_10 = arith.constant 0 : i32
    %dma_start3A_11 = arith.constant 0 : i32
    %dma_start3A_12 = tpu.memref_slice %arg3[%add3A, %dma_start3A_10, %dma_start3A_11] : memref<32x80x128xi32, #tpu.memory_space<hbm>> -> memref<1x80x128xi32, #tpu.memory_space<hbm>>
    %dma_start3A_13 = tpu.memref_squeeze %dma_start3A_12 : memref<1x80x128xi32, #tpu.memory_space<hbm>> -> memref<80x128xi32, #tpu.memory_space<hbm>>
    %dma_start3A_14 = arith.constant 0 : i32
    %dma_start3A_15 = arith.constant 0 : i32
    %dma_start3A_16 = tpu.memref_slice %arg3[%add3A, %dma_start3A_14, %dma_start3A_15] : memref<32x80x128xi32, #tpu.memory_space<hbm>> -> memref<1x80x128xi32, #tpu.memory_space<hbm>>
    %dma_start3A_17 = tpu.memref_squeeze %dma_start3A_16 : memref<1x80x128xi32, #tpu.memory_space<hbm>> -> memref<80x128xi32, #tpu.memory_space<hbm>>
    tpu.enqueue_dma source(%dma_start3A_17 : memref<80x128xi32, #tpu.memory_space<hbm>>) target(%arg9 : memref<80x128xi32, #tpu.memory_space<vmem>>) target_semaphore(%arg14 : memref<!tpu.dma_semaphore, #tpu.memory_space<semaphore_mem>>)
    %eq3A = arith.constant 0 : i32
    %eq3A_18 = arith.cmpi eq, %arg0, %eq3A : i32
    %convert_element_type3A = arith.extui %eq3A_18 : i1 to i32
    %cond3A = arith.constant 0 : i32
    %cond3A_19 = arith.cmpi ne, %convert_element_type3A, %cond3A : i32
    scf.if %cond3A_19 {
      "tpu.region"() ({
        %run_scoped3A = tpu.sem_alloc : memref<!tpu.dma_semaphore, #tpu.memory_space<semaphore_mem>>
        %dma_start3A_62 = arith.constant 0 : i32
        %dma_start3A_63 = tpu.memref_slice %arg12[%mul3A_2, %dma_start3A_62] : memref<10112x64xf32, #tpu.memory_space<vmem_shared>> -> memref<632x64xf32, #tpu.memory_space<vmem_shared>>
        %dma_start3A_64 = arith.constant 0 : i32
        %dma_start3A_65 = tpu.memref_slice %arg4[%mul3A_2, %dma_start3A_64] : memref<10112x64xf32, #tpu.memory_space<hbm>> -> memref<632x64xf32, #tpu.memory_space<hbm>>
        tpu.enqueue_dma source(%dma_start3A_65 : memref<632x64xf32, #tpu.memory_space<hbm>>) target(%dma_start3A_63 : memref<632x64xf32, #tpu.memory_space<vmem_shared>>) target_semaphore(%run_scoped3A : memref<!tpu.dma_semaphore, #tpu.memory_space<semaphore_mem>>)
        %dma_wait3A_66 = arith.constant 0 : i32
        %dma_wait3A_67 = tpu.memref_slice %arg12[%mul3A_2, %dma_wait3A_66] : memref<10112x64xf32, #tpu.memory_space<vmem_shared>> -> memref<632x64xf32, #tpu.memory_space<vmem_shared>>
        %dma_wait3A_68 = arith.constant 0 : i32
        %dma_wait3A_69 = tpu.memref_slice %arg4[%mul3A_2, %dma_wait3A_68] : memref<10112x64xf32, #tpu.memory_space<hbm>> -> memref<632x64xf32, #tpu.memory_space<hbm>>
        tpu.wait_dma2 semaphore(%run_scoped3A : memref<!tpu.dma_semaphore, #tpu.memory_space<semaphore_mem>>) src(%dma_wait3A_69 : memref<632x64xf32, #tpu.memory_space<hbm>>) dst(%dma_wait3A_67 : memref<632x64xf32, #tpu.memory_space<vmem_shared>>)
        tpu.yield
      }) : () -> ()
    } else {
    }
    %ne3A = arith.constant 0 : i32
    %ne3A_20 = arith.cmpi ne, %arg0, %ne3A : i32
    %convert_element_type3A_21 = arith.extui %ne3A_20 : i1 to i32
    %cond3A_22 = arith.constant 0 : i32
    %cond3A_23 = arith.cmpi ne, %convert_element_type3A_21, %cond3A_22 : i32
    scf.if %cond3A_23 {
      "tpu.region"() ({
        %run_scoped3A = tpu.sem_alloc : memref<!tpu.dma_semaphore, #tpu.memory_space<semaphore_mem>>
        %dma_start3A_62 = arith.constant 0 : i32
        %dma_start3A_63 = tpu.memref_slice %arg12[%mul3A_2, %dma_start3A_62] : memref<10112x64xf32, #tpu.memory_space<vmem_shared>> -> memref<632x64xf32, #tpu.memory_space<vmem_shared>>
        %dma_start3A_64 = arith.constant 0 : i32
        %dma_start3A_65 = tpu.memref_slice %arg5[%mul3A_2, %dma_start3A_64] : memref<10112x64xf32, #tpu.memory_space<hbm>> -> memref<632x64xf32, #tpu.memory_space<hbm>>
        tpu.enqueue_dma source(%dma_start3A_65 : memref<632x64xf32, #tpu.memory_space<hbm>>) target(%dma_start3A_63 : memref<632x64xf32, #tpu.memory_space<vmem_shared>>) target_semaphore(%run_scoped3A : memref<!tpu.dma_semaphore, #tpu.memory_space<semaphore_mem>>)
        %dma_wait3A_66 = arith.constant 0 : i32
        %dma_wait3A_67 = tpu.memref_slice %arg12[%mul3A_2, %dma_wait3A_66] : memref<10112x64xf32, #tpu.memory_space<vmem_shared>> -> memref<632x64xf32, #tpu.memory_space<vmem_shared>>
        %dma_wait3A_68 = arith.constant 0 : i32
        %dma_wait3A_69 = tpu.memref_slice %arg5[%mul3A_2, %dma_wait3A_68] : memref<10112x64xf32, #tpu.memory_space<hbm>> -> memref<632x64xf32, #tpu.memory_space<hbm>>
        tpu.wait_dma2 semaphore(%run_scoped3A : memref<!tpu.dma_semaphore, #tpu.memory_space<semaphore_mem>>) src(%dma_wait3A_69 : memref<632x64xf32, #tpu.memory_space<hbm>>) dst(%dma_wait3A_67 : memref<632x64xf32, #tpu.memory_space<vmem_shared>>)
        tpu.yield
      }) : () -> ()
    } else {
    }
    %dma_wait3A = arith.constant 0 : i32
    %dma_wait3A_24 = arith.constant 0 : i32
    %dma_wait3A_25 = tpu.memref_slice %arg2[%add3A, %dma_wait3A, %dma_wait3A_24] : memref<32x80x128xi32, #tpu.memory_space<hbm>> -> memref<1x80x128xi32, #tpu.memory_space<hbm>>
    %dma_wait3A_26 = tpu.memref_squeeze %dma_wait3A_25 : memref<1x80x128xi32, #tpu.memory_space<hbm>> -> memref<80x128xi32, #tpu.memory_space<hbm>>
    %dma_wait3A_27 = arith.constant 0 : i32
    %dma_wait3A_28 = arith.constant 0 : i32
    %dma_wait3A_29 = tpu.memref_slice %arg2[%add3A, %dma_wait3A_27, %dma_wait3A_28] : memref<32x80x128xi32, #tpu.memory_space<hbm>> -> memref<1x80x128xi32, #tpu.memory_space<hbm>>
    %dma_wait3A_30 = tpu.memref_squeeze %dma_wait3A_29 : memref<1x80x128xi32, #tpu.memory_space<hbm>> -> memref<80x128xi32, #tpu.memory_space<hbm>>
    tpu.wait_dma2 semaphore(%arg13 : memref<!tpu.dma_semaphore, #tpu.memory_space<semaphore_mem>>) src(%dma_wait3A_30 : memref<80x128xi32, #tpu.memory_space<hbm>>) dst(%arg8 : memref<80x128xi32, #tpu.memory_space<vmem>>)
    %dma_wait3A_31 = arith.constant 0 : i32
    %dma_wait3A_32 = arith.constant 0 : i32
    %dma_wait3A_33 = tpu.memref_slice %arg3[%add3A, %dma_wait3A_31, %dma_wait3A_32] : memref<32x80x128xi32, #tpu.memory_space<hbm>> -> memref<1x80x128xi32, #tpu.memory_space<hbm>>
    %dma_wait3A_34 = tpu.memref_squeeze %dma_wait3A_33 : memref<1x80x128xi32, #tpu.memory_space<hbm>> -> memref<80x128xi32, #tpu.memory_space<hbm>>
    %dma_wait3A_35 = arith.constant 0 : i32
    %dma_wait3A_36 = arith.constant 0 : i32
    %dma_wait3A_37 = tpu.memref_slice %arg3[%add3A, %dma_wait3A_35, %dma_wait3A_36] : memref<32x80x128xi32, #tpu.memory_space<hbm>> -> memref<1x80x128xi32, #tpu.memory_space<hbm>>
    %dma_wait3A_38 = tpu.memref_squeeze %dma_wait3A_37 : memref<1x80x128xi32, #tpu.memory_space<hbm>> -> memref<80x128xi32, #tpu.memory_space<hbm>>
    tpu.wait_dma2 semaphore(%arg14 : memref<!tpu.dma_semaphore, #tpu.memory_space<semaphore_mem>>) src(%dma_wait3A_38 : memref<80x128xi32, #tpu.memory_space<hbm>>) dst(%arg9 : memref<80x128xi32, #tpu.memory_space<vmem>>)
    %barrier3A = arith.constant 0 : index
    tpu.barrier barrier_id(%barrier3A)
    %dma_start3A_39 = arith.constant 0 : i32
    %dma_start3A_40 = arith.constant 0 : i32
    %dma_start3A_41 = tpu.memref_slice %arg8[%dma_start3A_39, %dma_start3A_40] : memref<80x128xi32, #tpu.memory_space<vmem>> -> memref<1x128xi32, #tpu.memory_space<vmem>>
    %dma_start3A_42 = tpu.memref_squeeze %dma_start3A_41 : memref<1x128xi32, #tpu.memory_space<vmem>> -> memref<128xi32, #tpu.memory_space<vmem>>
    %dma_start3A_43 = arith.constant 0 : i32
    %dma_start3A_44 = arith.constant 0 : i32
    %dma_start3A_45 = tpu.memref_slice %arg4[%dma_start3A_43, %dma_start3A_44] : memref<10112x64xf32, #tpu.memory_space<hbm>> -> memref<10112x64xf32, #tpu.memory_space<hbm>>
    tpu.enqueue_indirect_dma source(%dma_start3A_45 : memref<10112x64xf32, #tpu.memory_space<hbm>>) target(%arg10 : memref<128x64xf32, #tpu.memory_space<vmem>>) offsets(%dma_start3A_42 : memref<128xi32, #tpu.memory_space<vmem>>) semaphore(%arg13 : memref<!tpu.dma_semaphore, #tpu.memory_space<semaphore_mem>>)
    %scan3A = arith.constant 0 : i32
    %scan3A_46 = arith.constant 0 : i32
    %scan3A_47 = arith.constant 40 : i32
    %scan3A_48 = arith.addi %scan3A_46, %scan3A_47 : i32
    %scan3A_49 = arith.constant 1 : i32
    scf.for %scan3A_62 = %scan3A_46 to %scan3A_48 step %scan3A_49  : i32 {
      %mul3A_63 = arith.constant 2 : i32
      %mul3A_64 = arith.muli %mul3A_63, %scan3A_62 : i32
      %add3A_65 = arith.constant 1 : i32
      %add3A_66 = arith.addi %mul3A_64, %add3A_65 : i32
      %dma_start3A_67 = arith.constant 0 : i32
      %dma_start3A_68 = tpu.memref_slice %arg8[%add3A_66, %dma_start3A_67] : memref<80x128xi32, #tpu.memory_space<vmem>> -> memref<1x128xi32, #tpu.memory_space<vmem>>
      %dma_start3A_69 = tpu.memref_squeeze %dma_start3A_68 : memref<1x128xi32, #tpu.memory_space<vmem>> -> memref<128xi32, #tpu.memory_space<vmem>>
      %dma_start3A_70 = arith.constant 0 : i32
      %dma_start3A_71 = arith.constant 0 : i32
      %dma_start3A_72 = tpu.memref_slice %arg4[%dma_start3A_70, %dma_start3A_71] : memref<10112x64xf32, #tpu.memory_space<hbm>> -> memref<10112x64xf32, #tpu.memory_space<hbm>>
      tpu.enqueue_indirect_dma source(%dma_start3A_72 : memref<10112x64xf32, #tpu.memory_space<hbm>>) target(%arg11 : memref<128x64xf32, #tpu.memory_space<vmem>>) offsets(%dma_start3A_69 : memref<128xi32, #tpu.memory_space<vmem>>) semaphore(%arg14 : memref<!tpu.dma_semaphore, #tpu.memory_space<semaphore_mem>>)
      %dma_wait3A_73 = arith.constant 0 : i32
      %dma_wait3A_74 = arith.constant 0 : i32
      %dma_wait3A_75 = tpu.memref_slice %arg4[%dma_wait3A_73, %dma_wait3A_74] : memref<10112x64xf32, #tpu.memory_space<hbm>> -> memref<128x64xf32, #tpu.memory_space<hbm>>
      %dma_wait3A_76 = arith.constant 0 : i32
      %dma_wait3A_77 = arith.constant 0 : i32
      %dma_wait3A_78 = tpu.memref_slice %arg4[%dma_wait3A_76, %dma_wait3A_77] : memref<10112x64xf32, #tpu.memory_space<hbm>> -> memref<128x64xf32, #tpu.memory_space<hbm>>
      tpu.wait_dma2 semaphore(%arg13 : memref<!tpu.dma_semaphore, #tpu.memory_space<semaphore_mem>>) src(%dma_wait3A_78 : memref<128x64xf32, #tpu.memory_space<hbm>>) dst(%arg10 : memref<128x64xf32, #tpu.memory_space<vmem>>)
      "tpu.region"() ({
        %run_scoped3A = tpu.sem_alloc : memref<!tpu.dma_semaphore, #tpu.memory_space<semaphore_mem>>
        %dma_start3A_89 = arith.constant 0 : i32
        %dma_start3A_90 = tpu.memref_slice %arg9[%mul3A_64, %dma_start3A_89] : memref<80x128xi32, #tpu.memory_space<vmem>> -> memref<1x128xi32, #tpu.memory_space<vmem>>
        %dma_start3A_91 = tpu.memref_squeeze %dma_start3A_90 : memref<1x128xi32, #tpu.memory_space<vmem>> -> memref<128xi32, #tpu.memory_space<vmem>>
        %dma_start3A_92 = arith.constant 0 : i32
        %dma_start3A_93 = arith.constant 0 : i32
        %dma_start3A_94 = tpu.memref_slice %arg12[%dma_start3A_92, %dma_start3A_93] : memref<10112x64xf32, #tpu.memory_space<vmem_shared>> -> memref<10112x64xf32, #tpu.memory_space<vmem_shared>>
        tpu.enqueue_indirect_dma source(%arg10 : memref<128x64xf32, #tpu.memory_space<vmem>>) target(%dma_start3A_94 : memref<10112x64xf32, #tpu.memory_space<vmem_shared>>) offsets(%dma_start3A_91 : memref<128xi32, #tpu.memory_space<vmem>>) semaphore(%run_scoped3A : memref<!tpu.dma_semaphore, #tpu.memory_space<semaphore_mem>>) {add = true}
        %dma_wait3A_95 = arith.constant 0 : i32
        %dma_wait3A_96 = tpu.memref_slice %arg9[%mul3A_64, %dma_wait3A_95] : memref<80x128xi32, #tpu.memory_space<vmem>> -> memref<1x128xi32, #tpu.memory_space<vmem>>
        %dma_wait3A_97 = tpu.memref_squeeze %dma_wait3A_96 : memref<1x128xi32, #tpu.memory_space<vmem>> -> memref<128xi32, #tpu.memory_space<vmem>>
        %dma_wait3A_98 = arith.constant 0 : i32
        %dma_wait3A_99 = arith.constant 0 : i32
        %dma_wait3A_100 = tpu.memref_slice %arg12[%dma_wait3A_98, %dma_wait3A_99] : memref<10112x64xf32, #tpu.memory_space<vmem_shared>> -> memref<10112x64xf32, #tpu.memory_space<vmem_shared>>
        tpu.wait_indirect_dma semaphore(%run_scoped3A : memref<!tpu.dma_semaphore, #tpu.memory_space<semaphore_mem>>) src(%arg10 : memref<128x64xf32, #tpu.memory_space<vmem>>) dst(%dma_wait3A_100 : memref<10112x64xf32, #tpu.memory_space<vmem_shared>>)
        tpu.yield
      }) : () -> ()
      %lt3A = arith.constant 39 : i32
      %lt3A_79 = arith.cmpi slt, %scan3A_62, %lt3A : i32
      %convert_element_type3A_80 = arith.extui %lt3A_79 : i1 to i32
      %cond3A_81 = arith.constant 0 : i32
      %cond3A_82 = arith.cmpi ne, %convert_element_type3A_80, %cond3A_81 : i32
      scf.if %cond3A_82 {
        %add3A_89 = arith.constant 2 : i32
        %add3A_90 = arith.addi %mul3A_64, %add3A_89 : i32
        %dma_start3A_91 = arith.constant 0 : i32
        %dma_start3A_92 = tpu.memref_slice %arg8[%add3A_90, %dma_start3A_91] : memref<80x128xi32, #tpu.memory_space<vmem>> -> memref<1x128xi32, #tpu.memory_space<vmem>>
        %dma_start3A_93 = tpu.memref_squeeze %dma_start3A_92 : memref<1x128xi32, #tpu.memory_space<vmem>> -> memref<128xi32, #tpu.memory_space<vmem>>
        %dma_start3A_94 = arith.constant 0 : i32
        %dma_start3A_95 = arith.constant 0 : i32
        %dma_start3A_96 = tpu.memref_slice %arg4[%dma_start3A_94, %dma_start3A_95] : memref<10112x64xf32, #tpu.memory_space<hbm>> -> memref<10112x64xf32, #tpu.memory_space<hbm>>
        tpu.enqueue_indirect_dma source(%dma_start3A_96 : memref<10112x64xf32, #tpu.memory_space<hbm>>) target(%arg10 : memref<128x64xf32, #tpu.memory_space<vmem>>) offsets(%dma_start3A_93 : memref<128xi32, #tpu.memory_space<vmem>>) semaphore(%arg13 : memref<!tpu.dma_semaphore, #tpu.memory_space<semaphore_mem>>)
      } else {
      }
      %dma_wait3A_83 = arith.constant 0 : i32
      %dma_wait3A_84 = arith.constant 0 : i32
      %dma_wait3A_85 = tpu.memref_slice %arg4[%dma_wait3A_83, %dma_wait3A_84] : memref<10112x64xf32, #tpu.memory_space<hbm>> -> memref<128x64xf32, #tpu.memory_space<hbm>>
      %dma_wait3A_86 = arith.constant 0 : i32
      %dma_wait3A_87 = arith.constant 0 : i32
      %dma_wait3A_88 = tpu.memref_slice %arg4[%dma_wait3A_86, %dma_wait3A_87] : memref<10112x64xf32, #tpu.memory_space<hbm>> -> memref<128x64xf32, #tpu.memory_space<hbm>>
      tpu.wait_dma2 semaphore(%arg14 : memref<!tpu.dma_semaphore, #tpu.memory_space<semaphore_mem>>) src(%dma_wait3A_88 : memref<128x64xf32, #tpu.memory_space<hbm>>) dst(%arg11 : memref<128x64xf32, #tpu.memory_space<vmem>>)
      "tpu.region"() ({
        %run_scoped3A = tpu.sem_alloc : memref<!tpu.dma_semaphore, #tpu.memory_space<semaphore_mem>>
        %dma_start3A_89 = arith.constant 0 : i32
        %dma_start3A_90 = tpu.memref_slice %arg9[%add3A_66, %dma_start3A_89] : memref<80x128xi32, #tpu.memory_space<vmem>> -> memref<1x128xi32, #tpu.memory_space<vmem>>
        %dma_start3A_91 = tpu.memref_squeeze %dma_start3A_90 : memref<1x128xi32, #tpu.memory_space<vmem>> -> memref<128xi32, #tpu.memory_space<vmem>>
        %dma_start3A_92 = arith.constant 0 : i32
        %dma_start3A_93 = arith.constant 0 : i32
        %dma_start3A_94 = tpu.memref_slice %arg12[%dma_start3A_92, %dma_start3A_93] : memref<10112x64xf32, #tpu.memory_space<vmem_shared>> -> memref<10112x64xf32, #tpu.memory_space<vmem_shared>>
        tpu.enqueue_indirect_dma source(%arg11 : memref<128x64xf32, #tpu.memory_space<vmem>>) target(%dma_start3A_94 : memref<10112x64xf32, #tpu.memory_space<vmem_shared>>) offsets(%dma_start3A_91 : memref<128xi32, #tpu.memory_space<vmem>>) semaphore(%run_scoped3A : memref<!tpu.dma_semaphore, #tpu.memory_space<semaphore_mem>>) {add = true}
        %dma_wait3A_95 = arith.constant 0 : i32
        %dma_wait3A_96 = tpu.memref_slice %arg9[%add3A_66, %dma_wait3A_95] : memref<80x128xi32, #tpu.memory_space<vmem>> -> memref<1x128xi32, #tpu.memory_space<vmem>>
        %dma_wait3A_97 = tpu.memref_squeeze %dma_wait3A_96 : memref<1x128xi32, #tpu.memory_space<vmem>> -> memref<128xi32, #tpu.memory_space<vmem>>
        %dma_wait3A_98 = arith.constant 0 : i32
        %dma_wait3A_99 = arith.constant 0 : i32
        %dma_wait3A_100 = tpu.memref_slice %arg12[%dma_wait3A_98, %dma_wait3A_99] : memref<10112x64xf32, #tpu.memory_space<vmem_shared>> -> memref<10112x64xf32, #tpu.memory_space<vmem_shared>>
        tpu.wait_indirect_dma semaphore(%run_scoped3A : memref<!tpu.dma_semaphore, #tpu.memory_space<semaphore_mem>>) src(%arg11 : memref<128x64xf32, #tpu.memory_space<vmem>>) dst(%dma_wait3A_100 : memref<10112x64xf32, #tpu.memory_space<vmem_shared>>)
        tpu.yield
      }) : () -> ()
    }
    %scan3A_50 = arith.constant 40 : i32
    %barrier3A_51 = arith.constant 0 : index
    tpu.barrier barrier_id(%barrier3A_51)
    %eq3A_52 = arith.constant 0 : i32
    %eq3A_53 = arith.cmpi eq, %arg0, %eq3A_52 : i32
    %convert_element_type3A_54 = arith.extui %eq3A_53 : i1 to i32
    %cond3A_55 = arith.constant 0 : i32
    %cond3A_56 = arith.cmpi ne, %convert_element_type3A_54, %cond3A_55 : i32
    scf.if %cond3A_56 {
      "tpu.region"() ({
        %run_scoped3A = tpu.sem_alloc : memref<!tpu.dma_semaphore, #tpu.memory_space<semaphore_mem>>
        %dma_start3A_62 = arith.constant 0 : i32
        %dma_start3A_63 = tpu.memref_slice %arg6[%mul3A_2, %dma_start3A_62] : memref<10112x64xf32, #tpu.memory_space<hbm>> -> memref<632x64xf32, #tpu.memory_space<hbm>>
        %dma_start3A_64 = arith.constant 0 : i32
        %dma_start3A_65 = tpu.memref_slice %arg12[%mul3A_2, %dma_start3A_64] : memref<10112x64xf32, #tpu.memory_space<vmem_shared>> -> memref<632x64xf32, #tpu.memory_space<vmem_shared>>
        tpu.enqueue_dma source(%dma_start3A_65 : memref<632x64xf32, #tpu.memory_space<vmem_shared>>) target(%dma_start3A_63 : memref<632x64xf32, #tpu.memory_space<hbm>>) target_semaphore(%run_scoped3A : memref<!tpu.dma_semaphore, #tpu.memory_space<semaphore_mem>>)
        %dma_wait3A_66 = arith.constant 0 : i32
        %dma_wait3A_67 = tpu.memref_slice %arg6[%mul3A_2, %dma_wait3A_66] : memref<10112x64xf32, #tpu.memory_space<hbm>> -> memref<632x64xf32, #tpu.memory_space<hbm>>
        %dma_wait3A_68 = arith.constant 0 : i32
        %dma_wait3A_69 = tpu.memref_slice %arg12[%mul3A_2, %dma_wait3A_68] : memref<10112x64xf32, #tpu.memory_space<vmem_shared>> -> memref<632x64xf32, #tpu.memory_space<vmem_shared>>
        tpu.wait_dma2 semaphore(%run_scoped3A : memref<!tpu.dma_semaphore, #tpu.memory_space<semaphore_mem>>) src(%dma_wait3A_69 : memref<632x64xf32, #tpu.memory_space<vmem_shared>>) dst(%dma_wait3A_67 : memref<632x64xf32, #tpu.memory_space<hbm>>)
        tpu.yield
      }) : () -> ()
    } else {
    }
    %ne3A_57 = arith.constant 0 : i32
    %ne3A_58 = arith.cmpi ne, %arg0, %ne3A_57 : i32
    %convert_element_type3A_59 = arith.extui %ne3A_58 : i1 to i32
    %cond3A_60 = arith.constant 0 : i32
    %cond3A_61 = arith.cmpi ne, %convert_element_type3A_59, %cond3A_60 : i32
    scf.if %cond3A_61 {
      "tpu.region"() ({
        %run_scoped3A = tpu.sem_alloc : memref<!tpu.dma_semaphore, #tpu.memory_space<semaphore_mem>>
        %dma_start3A_62 = arith.constant 0 : i32
        %dma_start3A_63 = tpu.memref_slice %arg7[%mul3A_2, %dma_start3A_62] : memref<10112x64xf32, #tpu.memory_space<hbm>> -> memref<632x64xf32, #tpu.memory_space<hbm>>
        %dma_start3A_64 = arith.constant 0 : i32
        %dma_start3A_65 = tpu.memref_slice %arg12[%mul3A_2, %dma_start3A_64] : memref<10112x64xf32, #tpu.memory_space<vmem_shared>> -> memref<632x64xf32, #tpu.memory_space<vmem_shared>>
        tpu.enqueue_dma source(%dma_start3A_65 : memref<632x64xf32, #tpu.memory_space<vmem_shared>>) target(%dma_start3A_63 : memref<632x64xf32, #tpu.memory_space<hbm>>) target_semaphore(%run_scoped3A : memref<!tpu.dma_semaphore, #tpu.memory_space<semaphore_mem>>)
        %dma_wait3A_66 = arith.constant 0 : i32
        %dma_wait3A_67 = tpu.memref_slice %arg7[%mul3A_2, %dma_wait3A_66] : memref<10112x64xf32, #tpu.memory_space<hbm>> -> memref<632x64xf32, #tpu.memory_space<hbm>>
        %dma_wait3A_68 = arith.constant 0 : i32
        %dma_wait3A_69 = tpu.memref_slice %arg12[%mul3A_2, %dma_wait3A_68] : memref<10112x64xf32, #tpu.memory_space<vmem_shared>> -> memref<632x64xf32, #tpu.memory_space<vmem_shared>>
        tpu.wait_dma2 semaphore(%run_scoped3A : memref<!tpu.dma_semaphore, #tpu.memory_space<semaphore_mem>>) src(%dma_wait3A_69 : memref<632x64xf32, #tpu.memory_space<vmem_shared>>) dst(%dma_wait3A_67 : memref<632x64xf32, #tpu.memory_space<hbm>>)
        tpu.yield
      }) : () -> ()
    } else {
    }
    return
  }
}

module attributes {stable_mosaic.version = 14 : i64} {
  func.func @body(%arg0: i32, %arg1: memref<512x128xf32, #tpu.memory_space<vmem>>, %arg2: memref<128x128xf32, #tpu.memory_space<vmem>>, %arg3: memref<512xf32, #tpu.memory_space<vmem>>, %arg4: memref<512xf32, #tpu.memory_space<vmem>>, %arg5: memref<512x128xf32, #tpu.memory_space<vmem>>) attributes {dimension_semantics = [#tpu.dimension_semantics<arbitrary>], iteration_bounds = array<i64: 20>, scalar_prefetch = 0 : i64, scratch_operands = 0 : i64, tpu.core_type = #tpu.core_type<tc>, window_params = [{transform_indices = @transform_0, window_bounds = array<i64: 512, 128>}, {pipeline_mode = #tpu.pipeline_mode<synchronous>, transform_indices = @transform_1, window_bounds = array<i64: 128, 128>}, {transform_indices = @transform_2, window_bounds = array<i64: 512>}, {transform_indices = @transform_3, window_bounds = array<i64: 512>}, {transform_indices = @transform_4, window_bounds = array<i64: 512, 128>}]} {
    %get3A = arith.constant 0 : index
    %get3A_0 = vector.load %arg3[%get3A] : memref<512xf32, #tpu.memory_space<vmem>>, vector<512xf32>
    %get3A_1 = arith.constant 0 : index
    %get3A_2 = vector.load %arg4[%get3A_1] : memref<512xf32, #tpu.memory_space<vmem>>, vector<512xf32>
    %add3A = arith.addf %get3A_0, %get3A_2 : vector<512xf32>
    %add3A_3 = arith.constant 1.000000e+00 : f32
    %add3A_4 = vector.broadcast %add3A_3 : f32 to vector<512xf32>
    %add3A_5 = arith.addf %add3A, %add3A_4 : vector<512xf32>
    %rsqrt3A = math.rsqrt %add3A_5 : vector<512xf32>
    %get3A_6 = arith.constant 0 : index
    %get3A_7 = arith.constant 0 : index
    %get3A_8 = vector.load %arg1[%get3A_6, %get3A_7] : memref<512x128xf32, #tpu.memory_space<vmem>>, vector<512x128xf32>
    %get3A_9 = arith.constant 0 : index
    %get3A_10 = arith.constant 0 : index
    %get3A_11 = vector.load %arg2[%get3A_9, %get3A_10] : memref<128x128xf32, #tpu.memory_space<vmem>>, vector<128x128xf32>
    %dot_general3A = arith.constant dense<0.000000e+00> : vector<512x128xf32>
    %dot_general3A_12 = tpu.matmul %get3A_8, %get3A_11, %dot_general3A {dimension_numbers = #tpu.dot_dimension_numbers<[1], [0], [0], [1], [0, 0, 1, 1], [], []>, transpose_lhs_hint = false} : vector<512x128xf32>, vector<128x128xf32>, vector<512x128xf32> -> vector<512x128xf32>
    %broadcast_in_dim3A = vector.shape_cast %rsqrt3A : vector<512xf32> to vector<512x1xf32>
    %mul3A = vector.broadcast %broadcast_in_dim3A : vector<512x1xf32> to vector<512x128xf32>
    %mul3A_13 = arith.mulf %dot_general3A_12, %mul3A : vector<512x128xf32>
    %swap3A = arith.constant 0 : index
    %swap3A_14 = arith.constant 0 : index
    %swap3A_15 = vector.load %arg5[%swap3A, %swap3A_14] : memref<512x128xf32, #tpu.memory_space<vmem>>, vector<512x128xf32>
    tpu.vector_store %arg5[%swap3A, %swap3A_14], %mul3A_13 {strides = array<i32>} : memref<512x128xf32, #tpu.memory_space<vmem>>, vector<512x128xf32>,
    return
  }
  func.func @transform_0(%arg0: i32) -> (i32, i32) {
    %c0_i32 = arith.constant 0 : i32
    %c0_i32_0 = arith.constant 0 : i32
    return %arg0, %c0_i32 : i32, i32
  }
  func.func @transform_1(%arg0: i32) -> (i32, i32) {
    %c0_i32 = arith.constant 0 : i32
    %c0_i32_0 = arith.constant 0 : i32
    %c0_i32_1 = arith.constant 0 : i32
    return %c0_i32, %c0_i32_0 : i32, i32
  }
  func.func @transform_2(%arg0: i32) -> i32 {
    %c0_i32 = arith.constant 0 : i32
    return %arg0 : i32
  }
  func.func @transform_3(%arg0: i32) -> i32 {
    %c0_i32 = arith.constant 0 : i32
    return %arg0 : i32
  }
  func.func @transform_4(%arg0: i32) -> (i32, i32) {
    %c0_i32 = arith.constant 0 : i32
    %c0_i32_0 = arith.constant 0 : i32
    return %arg0, %c0_i32 : i32, i32
  }
}

module attributes {stable_mosaic.version = 14 : i64} {
  func.func @body(%arg0: i32, %arg1: memref<512x128xf32, #tpu.memory_space<vmem>>, %arg2: memref<512x128xf32, #tpu.memory_space<vmem>>, %arg3: memref<512xf32, #tpu.memory_space<vmem>>, %arg4: memref<512xf32, #tpu.memory_space<vmem>>, %arg5: memref<1x128xf32, #tpu.memory_space<vmem>>, %arg6: memref<128x64xf32, #tpu.memory_space<vmem>>, %arg7: memref<512x64xf32, #tpu.memory_space<vmem>>) attributes {dimension_semantics = [#tpu.dimension_semantics<arbitrary>], iteration_bounds = array<i64: 20>, scalar_prefetch = 0 : i64, scratch_operands = 0 : i64, tpu.core_type = #tpu.core_type<tc>, window_params = [{transform_indices = @transform_0, window_bounds = array<i64: 512, 128>}, {transform_indices = @transform_1, window_bounds = array<i64: 512, 128>}, {transform_indices = @transform_2, window_bounds = array<i64: 512>}, {transform_indices = @transform_3, window_bounds = array<i64: 512>}, {pipeline_mode = #tpu.pipeline_mode<synchronous>, transform_indices = @transform_4, window_bounds = array<i64: 1, 128>}, {pipeline_mode = #tpu.pipeline_mode<synchronous>, transform_indices = @transform_5, window_bounds = array<i64: 128, 64>}, {transform_indices = @transform_6, window_bounds = array<i64: 512, 64>}]} {
    %get3A = arith.constant 0 : index
    %get3A_0 = vector.load %arg3[%get3A] : memref<512xf32, #tpu.memory_space<vmem>>, vector<512xf32>
    %get3A_1 = arith.constant 0 : index
    %get3A_2 = vector.load %arg4[%get3A_1] : memref<512xf32, #tpu.memory_space<vmem>>, vector<512xf32>
    %add3A = arith.addf %get3A_0, %get3A_2 : vector<512xf32>
    %add3A_3 = arith.constant 1.000000e+00 : f32
    %add3A_4 = vector.broadcast %add3A_3 : f32 to vector<512xf32>
    %add3A_5 = arith.addf %add3A, %add3A_4 : vector<512xf32>
    %rsqrt3A = math.rsqrt %add3A_5 : vector<512xf32>
    %get3A_6 = arith.constant 0 : index
    %get3A_7 = arith.constant 0 : index
    %get3A_8 = vector.load %arg1[%get3A_6, %get3A_7] : memref<512x128xf32, #tpu.memory_space<vmem>>, vector<512x128xf32>
    %get3A_9 = arith.constant 0 : index
    %get3A_10 = arith.constant 0 : index
    %get3A_11 = vector.load %arg2[%get3A_9, %get3A_10] : memref<512x128xf32, #tpu.memory_space<vmem>>, vector<512x128xf32>
    %add3A_12 = arith.addf %get3A_8, %get3A_11 : vector<512x128xf32>
    %broadcast_in_dim3A = vector.shape_cast %rsqrt3A : vector<512xf32> to vector<512x1xf32>
    %mul3A = vector.broadcast %broadcast_in_dim3A : vector<512x1xf32> to vector<512x128xf32>
    %mul3A_13 = arith.mulf %add3A_12, %mul3A : vector<512x128xf32>
    %get3A_14 = arith.constant 0 : index
    %get3A_15 = arith.constant 0 : index
    %get3A_16 = vector.load %arg5[%get3A_14, %get3A_15] : memref<1x128xf32, #tpu.memory_space<vmem>>, vector<1x128xf32>
    %add3A_17 = vector.broadcast %get3A_16 : vector<1x128xf32> to vector<512x128xf32>
    %add3A_18 = arith.addf %mul3A_13, %add3A_17 : vector<512x128xf32>
    %max3A = arith.constant 0.000000e+00 : f32
    %max3A_19 = vector.broadcast %max3A : f32 to vector<512x128xf32>
    %max3A_20 = arith.maximumf %add3A_18, %max3A_19 : vector<512x128xf32>
    %get3A_21 = arith.constant 0 : index
    %get3A_22 = arith.constant 0 : index
    %get3A_23 = vector.load %arg6[%get3A_21, %get3A_22] : memref<128x64xf32, #tpu.memory_space<vmem>>, vector<128x64xf32>
    %dot_general3A = arith.constant dense<0.000000e+00> : vector<512x64xf32>
    %dot_general3A_24 = tpu.matmul %max3A_20, %get3A_23, %dot_general3A {dimension_numbers = #tpu.dot_dimension_numbers<[1], [0], [0], [1], [0, 0, 1, 1], [], []>, transpose_lhs_hint = false} : vector<512x128xf32>, vector<128x64xf32>, vector<512x64xf32> -> vector<512x64xf32>
    %broadcast_in_dim3A_25 = vector.shape_cast %rsqrt3A : vector<512xf32> to vector<512x1xf32>
    %mul3A_26 = vector.broadcast %broadcast_in_dim3A_25 : vector<512x1xf32> to vector<512x64xf32>
    %mul3A_27 = arith.mulf %dot_general3A_24, %mul3A_26 : vector<512x64xf32>
    %swap3A = arith.constant 0 : index
    %swap3A_28 = arith.constant 0 : index
    %swap3A_29 = vector.load %arg7[%swap3A, %swap3A_28] : memref<512x64xf32, #tpu.memory_space<vmem>>, vector<512x64xf32>
    tpu.vector_store %arg7[%swap3A, %swap3A_28], %mul3A_27 {strides = array<i32>} : memref<512x64xf32, #tpu.memory_space<vmem>>, vector<512x64xf32>,
    return
  }
  func.func @transform_0(%arg0: i32) -> (i32, i32) {
    %c0_i32 = arith.constant 0 : i32
    %c0_i32_0 = arith.constant 0 : i32
    return %arg0, %c0_i32 : i32, i32
  }
  func.func @transform_1(%arg0: i32) -> (i32, i32) {
    %c0_i32 = arith.constant 0 : i32
    %c0_i32_0 = arith.constant 0 : i32
    return %arg0, %c0_i32 : i32, i32
  }
  func.func @transform_2(%arg0: i32) -> i32 {
    %c0_i32 = arith.constant 0 : i32
    return %arg0 : i32
  }
  func.func @transform_3(%arg0: i32) -> i32 {
    %c0_i32 = arith.constant 0 : i32
    return %arg0 : i32
  }
  func.func @transform_4(%arg0: i32) -> (i32, i32) {
    %c0_i32 = arith.constant 0 : i32
    %c0_i32_0 = arith.constant 0 : i32
    %c0_i32_1 = arith.constant 0 : i32
    return %c0_i32, %c0_i32_0 : i32, i32
  }
  func.func @transform_5(%arg0: i32) -> (i32, i32) {
    %c0_i32 = arith.constant 0 : i32
    %c0_i32_0 = arith.constant 0 : i32
    %c0_i32_1 = arith.constant 0 : i32
    return %c0_i32, %c0_i32_0 : i32, i32
  }
  func.func @transform_6(%arg0: i32) -> (i32, i32) {
    %c0_i32 = arith.constant 0 : i32
    %c0_i32_0 = arith.constant 0 : i32
    return %arg0, %c0_i32 : i32, i32
  }
}

module attributes {stable_mosaic.version = 14 : i64} {
  func.func @body(%arg0: i32, %arg1: memref<512x64xf32, #tpu.memory_space<vmem>>, %arg2: memref<512x64xf32, #tpu.memory_space<vmem>>, %arg3: memref<512xf32, #tpu.memory_space<vmem>>, %arg4: memref<512xf32, #tpu.memory_space<vmem>>, %arg5: memref<1x64xf32, #tpu.memory_space<vmem>>, %arg6: memref<512x64xf32, #tpu.memory_space<vmem>>) attributes {dimension_semantics = [#tpu.dimension_semantics<arbitrary>], iteration_bounds = array<i64: 20>, scalar_prefetch = 0 : i64, scratch_operands = 0 : i64, tpu.core_type = #tpu.core_type<tc>, window_params = [{transform_indices = @transform_0, window_bounds = array<i64: 512, 64>}, {transform_indices = @transform_1, window_bounds = array<i64: 512, 64>}, {transform_indices = @transform_2, window_bounds = array<i64: 512>}, {transform_indices = @transform_3, window_bounds = array<i64: 512>}, {pipeline_mode = #tpu.pipeline_mode<synchronous>, transform_indices = @transform_4, window_bounds = array<i64: 1, 64>}, {transform_indices = @transform_5, window_bounds = array<i64: 512, 64>}]} {
    %get3A = arith.constant 0 : index
    %get3A_0 = vector.load %arg3[%get3A] : memref<512xf32, #tpu.memory_space<vmem>>, vector<512xf32>
    %get3A_1 = arith.constant 0 : index
    %get3A_2 = vector.load %arg4[%get3A_1] : memref<512xf32, #tpu.memory_space<vmem>>, vector<512xf32>
    %add3A = arith.addf %get3A_0, %get3A_2 : vector<512xf32>
    %add3A_3 = arith.constant 1.000000e+00 : f32
    %add3A_4 = vector.broadcast %add3A_3 : f32 to vector<512xf32>
    %add3A_5 = arith.addf %add3A, %add3A_4 : vector<512xf32>
    %rsqrt3A = math.rsqrt %add3A_5 : vector<512xf32>
    %get3A_6 = arith.constant 0 : index
    %get3A_7 = arith.constant 0 : index
    %get3A_8 = vector.load %arg1[%get3A_6, %get3A_7] : memref<512x64xf32, #tpu.memory_space<vmem>>, vector<512x64xf32>
    %get3A_9 = arith.constant 0 : index
    %get3A_10 = arith.constant 0 : index
    %get3A_11 = vector.load %arg2[%get3A_9, %get3A_10] : memref<512x64xf32, #tpu.memory_space<vmem>>, vector<512x64xf32>
    %add3A_12 = arith.addf %get3A_8, %get3A_11 : vector<512x64xf32>
    %broadcast_in_dim3A = vector.shape_cast %rsqrt3A : vector<512xf32> to vector<512x1xf32>
    %mul3A = vector.broadcast %broadcast_in_dim3A : vector<512x1xf32> to vector<512x64xf32>
    %mul3A_13 = arith.mulf %add3A_12, %mul3A : vector<512x64xf32>
    %get3A_14 = arith.constant 0 : index
    %get3A_15 = arith.constant 0 : index
    %get3A_16 = vector.load %arg5[%get3A_14, %get3A_15] : memref<1x64xf32, #tpu.memory_space<vmem>>, vector<1x64xf32>
    %add3A_17 = vector.broadcast %get3A_16 : vector<1x64xf32> to vector<512x64xf32>
    %add3A_18 = arith.addf %mul3A_13, %add3A_17 : vector<512x64xf32>
    %swap3A = arith.constant 0 : index
    %swap3A_19 = arith.constant 0 : index
    %swap3A_20 = vector.load %arg6[%swap3A, %swap3A_19] : memref<512x64xf32, #tpu.memory_space<vmem>>, vector<512x64xf32>
    tpu.vector_store %arg6[%swap3A, %swap3A_19], %add3A_18 {strides = array<i32>} : memref<512x64xf32, #tpu.memory_space<vmem>>, vector<512x64xf32>,
    return
  }
  func.func @transform_0(%arg0: i32) -> (i32, i32) {
    %c0_i32 = arith.constant 0 : i32
    %c0_i32_0 = arith.constant 0 : i32
    return %arg0, %c0_i32 : i32, i32
  }
  func.func @transform_1(%arg0: i32) -> (i32, i32) {
    %c0_i32 = arith.constant 0 : i32
    %c0_i32_0 = arith.constant 0 : i32
    return %arg0, %c0_i32 : i32, i32
  }
  func.func @transform_2(%arg0: i32) -> i32 {
    %c0_i32 = arith.constant 0 : i32
    return %arg0 : i32
  }
  func.func @transform_3(%arg0: i32) -> i32 {
    %c0_i32 = arith.constant 0 : i32
    return %arg0 : i32
  }
  func.func @transform_4(%arg0: i32) -> (i32, i32) {
    %c0_i32 = arith.constant 0 : i32
    %c0_i32_0 = arith.constant 0 : i32
    %c0_i32_1 = arith.constant 0 : i32
    return %c0_i32, %c0_i32_0 : i32, i32
  }
  func.func @transform_5(%arg0: i32) -> (i32, i32) {
    %c0_i32 = arith.constant 0 : i32
    %c0_i32_0 = arith.constant 0 : i32
    return %arg0, %c0_i32 : i32, i32
  }
}

</mosaic_0001>

<sc_bundles>
// kernel: kernel.11.cloned.1.call-start
scs
__scs_entry_jumppad:
0x0: {  	(pc) =	sbr.rel $0x88, $3  }
0x1: {  	(tag) =	ssettag $0x0;
	lr =	simm.s32 $0x1  }
0x2: {  	[smem:$0x3F9B] =	sst lr;
	_ =	strace $0xD0000000  }
0x3: {  	_ = 	snop  }
0x4: {  	_ = 	snop  }
0x5: {  	_ = 	snop  }
0x6: {  	_ = 	snop  }
0x7: {  	_ = 	snop  }
__scs_overlays_trampoline_lowered:
0x8: {  	[smem:$0x3FAA] =	sst s0  }
0x9: {  	[smem:$0x3FAB] =	sst s1  }
0xa: {  	[smem:$0x3FAC] =	sst s2  }
0xb: {  	[smem:$0x3FAD] =	sst s3  }
0xc: {  	[smem:$0x3FAE] =	sst s4  }
0xd: {  	[smem:$0x3FAF] =	sst s5  }
0xe: {  	[smem:$0x3FB0] =	sst s6  }
0xf: {  	[smem:$0x3FB1] =	sst s7  }
0x10: {  	[smem:$0x3FB2] =	sst s8  }
0x11: {  	[smem:$0x3FB3] =	sst s9;
	s0 =	simm.s32 @!p0 $0x0  }
0x12: {  	s1 =	sld [smem:$0x3F99];
	s0 =	simm.s32 @p0 $0x1  }
0x13: {  	[smem:$0x3FB4] =	sst s0;
	s0 =	simm.s32 @!p1 $0x0  }
0x14: {  	s2 =	sld [smem:$0x3F98];
	s0 =	simm.s32 @p1 $0x1  }
0x15: {  	[smem:$0x3FB5] =	sst s0;
	s0 =	simm.s32 @!p2 $0x0  }
0x16: {  	s3 =	sld [smem:$0x3FDB];
	s0 =	simm.s32 @p2 $0x1  }
0x17: {  	s4 =	simm.s32 $0x1BF5;
	[smem:$0x3FB7] =	sst s0  }
0x18: {  	s0 =	sld [smem:$0x3F9A];
	_ =	swait.ge [sflag:s4], $0x0  }
0x19: {  	s7 =	sld [smem:$0x3F9B]  }
0x1a: {  	s8 =	sadd.s32 $0xFFFFE003, lr  }
0x1b: {  	s9 =	sadd.s32 $0xFFFFFEF7, lr;
	s5 =	simm.s32 $0xFFFFFFFF;
	p2 =	slt.u32 s8, $0xFFFFF086  }
0x1c: {  	p1 =	slt.u32 s9, $0xF7A;
	s5 =	simm.s32 @!p2 $0x0  }
0x1d: {  	s5 =	simm.s32 @p1 $0x1;
	p0 =	seq.s32 s7, s2  }
0x1e: {  	s7 =	smul.u32 @!p0 $0xF7A, s2;
	p2 =	seq.s32 @!p0 s5, $0x0  }
0x1f: {  	s9 =	smul.u32 $0xF7A, s1;
	s8 =	simm.s32 @!p0 $0x1BF5;
	p2 =	por !p2, p0  }
0x20: {  	[sflag:s8] =	ssyncset.s32 @!p0 $0xFFFFF086;
	s6 =	sadd.s32 @!p0 s3, s7;
	s7 =	simm.s32 @!p0 $0x108  }
0x21: {  	s3 =	sadd.s32 s3, s9;
	s6 =	sadd.s32 @!p0 $0x88, s6;
	s7 =	simm.s32 @p2 $0x1082  }
0x22: {  	[simem:s7], [sflag:s8] =	dma.local @!p0 [hbm:s6], $0xF7A  }
0x23: {  	s9 =	sor.u32 $0xD0000000, s2;
	s6 =	simm.s32 $0x108;
	_ =	swait.ge @!p0 [sflag:s8], $0x0  }
0x24: {  	s3 =	sadd.s32 $0x88, s3;
	s6 =	simm.s32 @!p1 $0x1082;
	[sflag:s4] =	ssyncset.s32 $0xFFFFF086  }
0x25: {  	[simem:s6], [sflag:s4] =	dma.local [hbm:s3], $0xF7A  }
0x26: {  	[smem:$0x3F9B] =	sst s1;
	(tag) =	ssettag s2;
	_ =	strace s9  }
0x27: {  	s1 =	sld [smem:$0x3FAB]  }
0x28: {  	s2 =	sld [smem:$0x3FAC]  }
0x29: {  	s4 =	sld [smem:$0x3FAE]  }
0x2a: {  	p0 =	seq.s32 s5, $0x0;
	s5 =	sld [smem:$0x3FAF]  }
0x2b: {  	s6 =	sld [smem:$0x3FB0]  }
0x2c: {  	s7 =	sld [smem:$0x3FB1]  }
0x2d: {  	s3 =	simm.s32 $0x108;
	s8 =	sld [smem:$0x3FB2]  }
0x2e: {  	s3 =	simm.s32 @!p0 $0x1082;
	s9 =	sld [smem:$0x3FB3]  }
0x2f: {  	lr =	sadd.s32 s0, s3;
	s0 =	sld [smem:$0x3FAA]  }
0x30: {  	s3 =	sld [smem:$0x3FAD]  }
0x31: {  	[smem:$0x3FB6] =	sst s10  }
0x32: {  	s10 =	sld [smem:$0x3FB4];
	_ =	sdelay $0x3  }
0x33: {  	p0 =	seq.s32 s10, $0x1;
	s10 =	sld [smem:$0x3FB6];
	_ =	sdelay $0x3  }
0x34: {  	[smem:$0x3FB6] =	sst s10  }
0x35: {  	s10 =	sld [smem:$0x3FB5];
	_ =	sdelay $0x3  }
0x36: {  	p1 =	seq.s32 s10, $0x1;
	s10 =	sld [smem:$0x3FB6];
	_ =	sdelay $0x3  }
0x37: {  	[smem:$0x3FB6] =	sst s10  }
0x38: {  	s10 =	sld [smem:$0x3FB7]  }
0x39: {  	_ = 	snop;
	(pc) =	sbr.ind lr, $3  }
0x3a: {  	_ = 	snop  }
0x3b: {  	_ = 	snop  }
0x3c: {  	p2 =	seq.s32 s10, $0x1;
	s10 =	sld [smem:$0x3FB6]  }
0x3d: {  	_ =	shalt  }
0x3e: {  	_ =	shalt  }
0x3f: {  	_ =	shalt  }
0x40: {  	_ =	shalt  }
0x41: {  	_ =	shalt  }
0x42: {  	_ =	shalt  }
0x43: {  	_ =	shalt  }
0x44: {  	_ =	shalt  }
0x45: {  	_ =	shalt  }
0x46: {  	_ =	shalt  }
0x47: {  	_ =	shalt  }
0x48: {  	_ =	shalt  }
0x49: {  	_ =	shalt  }
0x4a: {  	_ =	shalt  }
0x4b: {  	_ =	shalt  }
0x4c: {  	_ =	shalt  }
0x4d: {  	_ =	shalt  }
0x4e: {  	_ =	shalt  }
0x4f: {  	_ =	shalt  }
0x50: {  	_ =	shalt  }
0x51: {  	_ =	shalt  }
0x52: {  	_ =	shalt  }
0x53: {  	_ =	shalt  }
0x54: {  	_ =	shalt  }
0x55: {  	_ =	shalt  }
0x56: {  	_ =	shalt  }
0x57: {  	_ =	shalt  }
0x58: {  	_ =	shalt  }
0x59: {  	_ =	shalt  }
0x5a: {  	_ =	shalt  }
0x5b: {  	_ =	shalt  }
0x5c: {  	_ =	shalt  }
0x5d: {  	_ =	shalt  }
0x5e: {  	_ =	shalt  }
0x5f: {  	_ =	shalt  }
0x60: {  	_ =	shalt  }
0x61: {  	_ =	shalt  }
0x62: {  	_ =	shalt  }
0x63: {  	_ =	shalt  }
0x64: {  	_ =	shalt  }
0x65: {  	_ =	shalt  }
0x66: {  	_ =	shalt  }
0x67: {  	_ =	shalt  }
0x68: {  	_ =	shalt  }
0x69: {  	_ =	shalt  }
0x6a: {  	_ =	shalt  }
0x6b: {  	_ =	shalt  }
0x6c: {  	_ =	shalt  }
0x6d: {  	_ =	shalt  }
0x6e: {  	_ =	shalt  }
0x6f: {  	_ =	shalt  }
0x70: {  	_ =	shalt  }
0x71: {  	_ =	shalt  }
0x72: {  	_ =	shalt  }
0x73: {  	_ =	shalt  }
0x74: {  	_ =	shalt  }
0x75: {  	_ =	shalt  }
0x76: {  	_ =	shalt  }
0x77: {  	_ =	shalt  }
0x78: {  	_ =	shalt  }
0x79: {  	_ =	shalt  }
0x7a: {  	_ =	shalt  }
0x7b: {  	_ =	shalt  }
0x7c: {  	_ =	shalt  }
0x7d: {  	_ =	shalt  }
0x7e: {  	_ =	shalt  }
0x7f: {  	_ =	shalt  }
0x80: {  	_ =	shalt  }
0x81: {  	_ =	shalt  }
0x82: {  	_ =	shalt  }
0x83: {  	_ =	shalt  }
0x84: {  	_ =	shalt  }
0x85: {  	_ =	shalt  }
0x86: {  	_ =	shalt  }
0x87: {  	_ =	shalt  }
.Lfunc_end0:
.L_simem_size_0:
called_computation.1_lowered:
.L_overlay_start_0:
0x88: {  	s2 =	sld [smem:$0x3FD9]  }
0x89: {  	s3 =	sld [smem:$0x3FFE];
	_ =	sdelay $0x1  }
0x8a: {  	s1 =	srdreg.scid  }
0x8b: {  	s0 =	sand.u32 $0x1, s1  }
0x8c: {  	s16 =	sshll.u32 s0, $0xA;
	s2 =	sadd.s32 s3, s2  }
0x8d: {  	s2 =	sadd.s32 s2, s16  }
0x8e: {  	[smem:$0x3FC2] =	sst s2  }
0x8f: {  	_ = 	snop  }
0x90: {  	(tm) =	ssettm $0x1  }
0x91: {  	s17 =	sld [smem:$0x3FFB];
	_ =	sdelay $0x3  }
0x92: {  	_ =	strace s17  }
0x93: {  	s2 =	sld [smem:$0x3FFC];
	_ =	sdelay $0x3  }
0x94: {  	_ =	strace s2  }
0x95: {  	s2 =	sld [smem:$0x3FFD];
	_ =	sdelay $0x3  }
0x96: {  	_ =	strace s2  }
0x97: {  	_ =	strace $0x8FFFFFFF  }
0x98: {  	s18 =	sld [smem:$0x3FDB];
	_ =	sdelay $0x1  }
0x99: {  	s19 =	simm.s32 $_scs_section_size  }
0x9a: {  	s4 =	simm.s32 $_size__tile_overlayer_lowered;
	s5 =	simm.s32 $_tile_overlayer_lowered  }
0x9b: {  	s22 =	simm.s32 $0x1BFF;
	s21 =	sshll.u32 s5, $0x1;
	s2 =	sadd.s32 s19, s18  }
0x9c: {  	s6 =	simm.s32 $0x0;
	s20 =	sshll.u32 s4, $0x1;
	s4 =	sadd.s32 s21, s2  }
0x9d: {  	[timem:s6], [sflag:s22] =	dma.local [hbm:s4], s20  }
0x9e: {  	_ =	swait.ge [sflag:s22], s20  }
0x9f: {  	s3 =	ssub.s32 $0x0, s20;
	[sflag:s22] =	ssyncset.done $0x0  }
0xa0: {  	[sflag:s22] =	ssyncadd.s32 s3;
	_ =	sdelay $0x1  }
0xa1: {  	s23 =	simm.s32 $0x1B8B  }
0xa2: {  	_ =	swait.ge [sflag:s23], $0x1  }
0xa3: {  	[sflag:s23] =	ssyncset.done $0x0  }
0xa4: {  	s25 =	simm.s32 $0x1B8E;
	s24 =	sld [smem:$0x3FFE];
	[sflag:s23] =	ssyncadd.s32 $0xFFFFFFFF  }
0xa5: {  	s26 =	simm.s32 $execute0_lowered;
	[smem:$0x3FD2] =	sst s25  }
0xa6: {  	s4 =	sshll.u32 s26, $0x1;
	_ =	strace $0x80000049;
	[dreg:$0x1] =	wrdreg $0xFFFFFFFF  }
0xa7: {  	s28 =	simm.s32 $_size_execute0_lowered;
	s2 =	sadd.s32 s2, s4;
	[dreg:$0x0] =	wrdreg $0x0  }
0xa8: {  	s4 =	sshll.u32 s28, $0x1;
	[dreg:$0x2] =	wrdreg s2  }
0xa9: {  	[dreg:$0x3] =	wrdreg s4  }
0xaa: {  	[dreg:$0x4] =	wrdreg $0xC0  }
0xab: {  	_ =	task [dreg:s6], $0x5FFFF  }
0xac: {  	[dreg:$0x1] =	wrdreg $0xFFFFFFFF  }
0xad: {  	[dreg:$0x0] =	wrdreg $0x60  }
0xae: {  	[dreg:$0x2] =	wrdreg s24  }
0xaf: {  	[dreg:$0x3] =	wrdreg $0xA8000  }
0xb0: {  	[dreg:$0x4] =	wrdreg $0x9  }
0xb1: {  	_ =	task.clear_ibuf [dreg:s6], $0x5FFFF;
	_ =	strace $0x90000049  }
0xb2: {  	s29 =	simm.s32 $0x9;
	_ =	strace $0x8000004B  }
0xb3: {  	_ =	swait.ge [sflag:s29], $0x1  }
0xb4: {  	[sflag:s29] =	ssyncadd.s32 $0xFFFFFFFF  }
0xb5: {  	_ =	strace $0x9000004B  }
0xb6: {  	_ =	sfence  }
0xb7: {  	s30 =	sld [smem:$0x0];
	_ =	sdelay $0x2  }
0xb8: {  	s31 =	sshll.u32 s1, $0xD;
	s1 =	sshrl.u32 s1, $0x2  }
0xb9: {  	s3 =	sand.u32 $0x4000, s31;
	s1 =	sadd.s32 s1, s30  }
0xba: {  	s0 =	sor.u32 s3, s0;
	s1 =	sshll.u32 s1, $0x11  }
0xbb: {  	s0 =	sor.u32 s1, s0  }
0xbc: {  	s0 =	sadd.s32 $0x8F2B, s0  }
0xbd: {  	[sflag:s0] =	ssyncadd.remote.s32 $0x1  }
0xbe: {  	_ =	sfence.sel $0xFFFF  }
0xbf: {  	[dreg:$0x0] =	wrdreg $0xFFFFFFFF;
	(pc) =	sbr.abs _section_cstart, $3  }
0xc0: {  	[dreg:$0x1] =	wrdreg $0xFFFFFFFF  }
0xc1: {  	_ =	task.clear_ibuf [dreg:s6], $0x2FFFF;
	_ =	strace $0x9FFFFFFF  }
0xc2: {  	(tm) =	ssettm $0x7FFFFFFF  }
0xc3: {  	_ =	shalt  }
tec
execute0_lowered:
.L_overlay_start_1:
0x0: {  	(tag) =	ssettag $0x1  }
0x1: {  	s5 =	rddreg [dreg:$0x0]  }
0x2: {  	s1 =	rddreg [dreg:$0x1];
	s2 =	srdreg.scid  }
0x3: {  	s0 =	rddreg [dreg:$0x2];
	s3 =	simm.s32 $0x0;
	s17 =	simm.s32 $0x2  }
0x4: {  	s18 =	simm.s32 $0x80;
	s19 =	simm.s32 $0x2800;
	s20 =	simm.s32 $0x6800  }
0x5: {  	s21 =	simm.s32 $0x1380;
	s22 =	simm.s32 $0x2700;
	s23 =	simm.s32 $0x2780  }
0x6: {  	s24 =	simm.s32 $0x0;
	s7 =	sand.u32 $0x1, s2;
	[smem:$0x7FF] =	sst s3  }
0x7: {  	s2 =	stileid.u32;
	s8 =	sadd.s32 $0x2E00, s5;
	s9 =	sadd.s32 $0xCE00, s5  }
0x8: {  	s10 =	sadd.s32 $0x3E600, s5;
	s11 =	sadd.s32 $0x65E00, s5;
	s16 =	sadd.s32 $0x8D600, s5  }
0x9: {  	s4 =	sshll.u32 s7, $0x4;
	_ =	strace $0x8000004A;
	s15 =	smul.u32 $0x4F000, s2  }
0xa: {  	s12 =	ssub.s32 $0x2, s7;
	p0 =	seq.s32 s7, $0x0;
	s30 =	smul.u32 $0x2780, s2  }
0xb: {  	s31 =	sshll.u32 s2, $0x6;
	s6 =	sor.u32 s2, s4;
	s4 =	sadd.s32 $0x16E00, s5  }
0xc: {  	s13 =	sshrl.u32 s12, $0x1;
	s16 =	smov.u32 @p0 s11;
	s6 =	smul.u32 $0x2800, s6  }
0xd: {  	s11 =	sor.u32 $0x1C03, s31;
	s12 =	ssub.s32 s12, s13;
	s29 =	sshrl.u32 s15, $0x2  }
0xe: {  	s10 =	smov.u32 @p0 s4;
	s13 =	simm.s32 $0x1400;
	s14 =	sshrl.u32 s6, $0x3  }
0xf: {  	s5 =	sadd.s32 s8, s14;
	s6 =	sadd.s32 s9, s14;
	s14 =	sadd.s32 $0x280, s14  }
0x10: {  	s15 =	sadd.s32 s29, s1;
	s10 =	sadd.s32 s10, s30;
	s7 =	sadd.s32 s8, s14  }
0x11: {  	s8 =	sadd.s32 s9, s14;
	s9 =	smax.u32 s12, $0x1;
	s12 =	sadd.s32 s16, s30  }
0x12: {  	s14 =	sshrl.u32 s15, $0x3;
	s15 =	simm.s32 $0x3;
	s16 =	simm.s32 $0x1  }
.LBB2_1:
0x13: {  	[tilespmem:s3], [sflag:$0x1] =	stream.linear.gather [hbm4b:s5+s3], $0x1400, $0x38;
	[tilespmem:$0x1E400] =	vst v63  }
0x14: {  	_ = 	snop  }
0x15: {  	[tilespmem:s13], [sflag:$0x2] =	stream.linear.gather [hbm4b:s6+s3], $0x1400, $0x38;
	[tilespmem:$0x1E400] =	vst v63  }
0x16: {  	[spmem:s14], [sflag:s11] =	dma.local [hbm:s10], $0x2780  }
0x17: {  	_ =	swait.ge [sflag:s15], $0x2780  }
0x18: {  	[sflag:s15] =	ssyncset.done $0x0  }
0x19: {  	[sflag:s15] =	ssyncadd.s32 $0xFFFFD880  }
0x1a: {  	_ =	swait.ge [sflag:s16], $0x1400  }
0x1b: {  	[sflag:s16] =	ssyncset.done $0x0  }
0x1c: {  	[sflag:s16] =	ssyncadd.s32 $0xFFFFEC00  }
0x1d: {  	_ =	swait.ge [sflag:s17], $0x1400  }
0x1e: {  	[sflag:s17] =	ssyncset.done $0x0  }
0x1f: {  	[sflag:s17] =	ssyncadd.s32 $0xFFFFEC00  }
0x20: {  	[bflag:$0x0] =	sbarrier.arrive $0xFFFF  }
0x21: {  	[tilespmem:s19], [sflag:$0x1] =	stream.indirect.gather [hbm4b:s4+s18], $0x80, s3, s18, $0xb8;
	[tilespmem:$0x1E400] =	vst v63  }
0x22: {  	s25 =	simm.s32 $0x80  }
0x23: {  	[tilespmem:s20], [sflag:$0x2] =	stream.indirect.gather [hbm4b:s4+s18], $0x80, s25, s18, $0xb8;
	[tilespmem:$0x1E400] =	vst v63  }
0x24: {  	_ =	swait.ge [sflag:s16], $0x4000  }
0x25: {  	[sflag:s16] =	ssyncset.done $0x0  }
0x26: {  	s29 =	simm.s32 $0x1400;
	[sflag:s16] =	ssyncadd.s32 $0xFFFFC000  }
0x27: {  	[spmem:s1] =	stream.indirect.scatter.add.f32 [tilespmem:s19], [sflag:$0x3], $0x80, s29, s18, $0xb8;
	[tilespmem:$0x1E400] =	vst v63  }
0x28: {  	_ =	swait.ge [sflag:s15], $0x4000  }
0x29: {  	[sflag:s15] =	ssyncset.done $0x0  }
0x2a: {  	s30 =	simm.s32 $0x100;
	[sflag:s15] =	ssyncadd.s32 $0xFFFFC000  }
0x2b: {  	[tilespmem:s19], [sflag:$0x1] =	stream.indirect.gather [hbm4b:s4+s18], $0x80, s30, s18, $0xb8;
	[tilespmem:$0x1E400] =	vst v63  }
0x2c: {  	_ =	swait.ge [sflag:s17], $0x4000  }
0x2d: {  	[sflag:s17] =	ssyncset.done $0x0  }
0x2e: {  	s31 =	simm.s32 $0x1480;
	[sflag:s17] =	ssyncadd.s32 $0xFFFFC000  }
0x2f: {  	[spmem:s1] =	stream.indirect.scatter.add.f32 [tilespmem:s20], [sflag:$0x3], $0x80, s31, s18, $0xb8;
	[tilespmem:$0x1E400] =	vst v63  }
0x30: {  	_ =	swait.ge [sflag:s15], $0x4000  }
0x31: {  	s26 =	simm.s32 $0x800;
	s25 =	simm.s32 $0x100;
	[sflag:s15] =	ssyncset.done $0x0  }
.LBB2_2:
0x32: {  	s28 =	sadd.s32 $0x80, s25  }
0x33: {  	[sflag:s15] =	ssyncadd.s32 $0xFFFFC000;
	s29 =	smov.u32 s26;
	s30 =	sadd.s32 $0x400, s26  }
0x34: {  	[tilespmem:s20], [sflag:$0x2] =	stream.indirect.gather [hbm4b:s4+s18], $0x80, s28, s18, $0xb8;
	[tilespmem:$0x1E400] =	vst v63  }
0x35: {  	p0 =	sne.s32 s26, $0x4800;
	_ =	swait.ge [sflag:s16], $0x4000  }
0x36: {  	[sflag:s16] =	ssyncset.done $0x0  }
0x37: {  	s26 =	sadd.s32 $0x1400, s25;
	[sflag:s16] =	ssyncadd.s32 $0xFFFFC000  }
0x38: {  	[spmem:s1] =	stream.indirect.scatter.add.f32 [tilespmem:s19], [sflag:$0x3], $0x80, s26, s18, $0xb8;
	[tilespmem:$0x1E400] =	vst v63  }
0x39: {  	_ =	swait.ge [sflag:s15], $0x4000  }
0x3a: {  	[sflag:s15] =	ssyncset.done $0x0  }
0x3b: {  	s26 =	sadd.s32 $0x100, s25;
	[sflag:s15] =	ssyncadd.s32 $0xFFFFC000  }
0x3c: {  	[tilespmem:s19], [sflag:$0x1] =	stream.indirect.gather [hbm4b:s4+s18], $0x80, s26, s18, $0xb8;
	[tilespmem:$0x1E400] =	vst v63  }
0x3d: {  	_ =	swait.ge [sflag:s17], $0x4000  }
.Ltmp0:
0x3e: {  	[sflag:s17] =	ssyncset.done $0x0;
	(pc) =	sbr.rel @p0 .LBB2_2-.Ltmp0, $4  }
0x3f: {  	s25 =	sadd.s32 $0x1480, s25;
	[sflag:s17] =	ssyncadd.s32 $0xFFFFC000  }
0x40: {  	[spmem:s1] =	stream.indirect.scatter.add.f32 [tilespmem:s20], [sflag:$0x3], $0x80, s25, s18, $0xb8;
	[tilespmem:$0x1E400] =	vst v63  }
0x41: {  	_ =	swait.ge [sflag:s15], $0x4000  }
0x42: {  	s26 =	smov.u32 s30;
	s25 =	sshra.s32 s29, $0x2;
	[sflag:s15] =	ssyncset.done $0x0  }
0x43: {  	s26 =	sadd.s32 $0x80, s25;
	[sflag:s15] =	ssyncadd.s32 $0xFFFFC000  }
0x44: {  	[tilespmem:s20], [sflag:$0x2] =	stream.indirect.gather [hbm4b:s4+s18], $0x80, s26, s18, $0xb8;
	[tilespmem:$0x1E400] =	vst v63  }
0x45: {  	_ =	swait.ge [sflag:s16], $0x4000  }
0x46: {  	[sflag:s16] =	ssyncset.done $0x0  }
0x47: {  	s29 =	sadd.s32 $0x1400, s25;
	[sflag:s16] =	ssyncadd.s32 $0xFFFFC000  }
0x48: {  	[spmem:s1] =	stream.indirect.scatter.add.f32 [tilespmem:s19], [sflag:$0x3], $0x80, s29, s18, $0xb8;
	[tilespmem:$0x1E400] =	vst v63  }
0x49: {  	_ =	swait.ge [sflag:s15], $0x4000  }
0x4a: {  	[sflag:s15] =	ssyncset.done $0x0  }
0x4b: {  	s30 =	sadd.s32 $0x100, s25;
	[sflag:s15] =	ssyncadd.s32 $0xFFFFC000  }
0x4c: {  	[tilespmem:s19], [sflag:$0x1] =	stream.indirect.gather [hbm4b:s4+s18], $0x80, s30, s18, $0xb8;
	[tilespmem:$0x1E400] =	vst v63  }
0x4d: {  	_ =	swait.ge [sflag:s17], $0x4000  }
0x4e: {  	[sflag:s17] =	ssyncset.done $0x0  }
0x4f: {  	s31 =	sadd.s32 $0x1480, s25;
	[sflag:s17] =	ssyncadd.s32 $0xFFFFC000  }
0x50: {  	[spmem:s1] =	stream.indirect.scatter.add.f32 [tilespmem:s20], [sflag:$0x3], $0x80, s31, s18, $0xb8;
	[tilespmem:$0x1E400] =	vst v63  }
0x51: {  	_ =	swait.ge [sflag:s15], $0x4000  }
0x52: {  	[sflag:s15] =	ssyncset.done $0x0  }
0x53: {  	[sflag:s15] =	ssyncadd.s32 $0xFFFFC000  }
0x54: {  	[tilespmem:s20], [sflag:$0x2] =	stream.indirect.gather [hbm4b:s4+s18], $0x80, s21, s18, $0xb8;
	[tilespmem:$0x1E400] =	vst v63  }
0x55: {  	_ =	swait.ge [sflag:s16], $0x4000  }
0x56: {  	[sflag:s16] =	ssyncset.done $0x0  }
0x57: {  	[sflag:s16] =	ssyncadd.s32 $0xFFFFC000  }
0x58: {  	[spmem:s1] =	stream.indirect.scatter.add.f32 [tilespmem:s19], [sflag:$0x3], $0x80, s22, s18, $0xb8;
	[tilespmem:$0x1E400] =	vst v63  }
0x59: {  	_ =	swait.ge [sflag:s15], $0x4000  }
0x5a: {  	[sflag:s15] =	ssyncset.done $0x0  }
0x5b: {  	[sflag:s15] =	ssyncadd.s32 $0xFFFFC000  }
0x5c: {  	_ =	swait.ge [sflag:s17], $0x4000  }
0x5d: {  	[sflag:s17] =	ssyncset.done $0x0  }
0x5e: {  	[sflag:s17] =	ssyncadd.s32 $0xFFFFC000  }
0x5f: {  	[spmem:s1] =	stream.indirect.scatter.add.f32 [tilespmem:s20], [sflag:$0x3], $0x80, s23, s18, $0xb8;
	[tilespmem:$0x1E400] =	vst v63  }
0x60: {  	_ =	swait.ge [sflag:s15], $0x4000  }
0x61: {  	[sflag:s15] =	ssyncset.done $0x0  }
0x62: {  	s26 =	simm.s32 $0x0;
	[sflag:s15] =	ssyncadd.s32 $0xFFFFC000  }
0x63: {  	[tilespmem:s26], [sflag:$0x3] =	stream.linear.gather [hbm4b:s7+s26], $0x1400, $0x38;
	[tilespmem:$0x1E400] =	vst v63  }
0x64: {  	_ =	swait.ge [sflag:s15], $0x1400  }
0x65: {  	[sflag:s15] =	ssyncset.done $0x0  }
0x66: {  	[sflag:s15] =	ssyncadd.s32 $0xFFFFEC00  }
0x67: {  	[tilespmem:s13], [sflag:$0x3] =	stream.linear.gather [hbm4b:s8+s26], $0x1400, $0x38;
	[tilespmem:$0x1E400] =	vst v63  }
0x68: {  	_ =	swait.ge [sflag:s15], $0x1400  }
0x69: {  	[sflag:s15] =	ssyncset.done $0x0  }
0x6a: {  	[sflag:s15] =	ssyncadd.s32 $0xFFFFEC00  }
0x6b: {  	[tilespmem:s19], [sflag:$0x1] =	stream.indirect.gather [hbm4b:s4+s18], $0x80, s26, s18, $0xb8;
	[tilespmem:$0x1E400] =	vst v63  }
0x6c: {  	s28 =	simm.s32 $0x80  }
0x6d: {  	[tilespmem:s20], [sflag:$0x2] =	stream.indirect.gather [hbm4b:s4+s18], $0x80, s28, s18, $0xb8;
	[tilespmem:$0x1E400] =	vst v63  }
0x6e: {  	_ =	swait.ge [sflag:s16], $0x4000  }
0x6f: {  	[sflag:s16] =	ssyncset.done $0x0  }
0x70: {  	s29 =	simm.s32 $0x1400;
	[sflag:s16] =	ssyncadd.s32 $0xFFFFC000  }
0x71: {  	[spmem:s1] =	stream.indirect.scatter.add.f32 [tilespmem:s19], [sflag:$0x3], $0x80, s29, s18, $0xb8;
	[tilespmem:$0x1E400] =	vst v63  }
0x72: {  	_ =	swait.ge [sflag:s15], $0x4000  }
0x73: {  	[sflag:s15] =	ssyncset.done $0x0  }
0x74: {  	s30 =	simm.s32 $0x100;
	[sflag:s15] =	ssyncadd.s32 $0xFFFFC000  }
0x75: {  	[tilespmem:s19], [sflag:$0x1] =	stream.indirect.gather [hbm4b:s4+s18], $0x80, s30, s18, $0xb8;
	[tilespmem:$0x1E400] =	vst v63  }
0x76: {  	_ =	swait.ge [sflag:s17], $0x4000  }
0x77: {  	[sflag:s17] =	ssyncset.done $0x0  }
0x78: {  	s31 =	simm.s32 $0x1480;
	[sflag:s17] =	ssyncadd.s32 $0xFFFFC000  }
0x79: {  	[spmem:s1] =	stream.indirect.scatter.add.f32 [tilespmem:s20], [sflag:$0x3], $0x80, s31, s18, $0xb8;
	[tilespmem:$0x1E400] =	vst v63  }
0x7a: {  	_ =	swait.ge [sflag:s15], $0x4000  }
0x7b: {  	s25 =	simm.s32 $0x100;
	s26 =	simm.s32 $0x800;
	[sflag:s15] =	ssyncset.done $0x0  }
.LBB2_4:
0x7c: {  	s28 =	sadd.s32 $0x80, s25  }
0x7d: {  	[sflag:s15] =	ssyncadd.s32 $0xFFFFC000;
	s29 =	smov.u32 s26;
	s30 =	sadd.s32 $0x400, s26  }
0x7e: {  	[tilespmem:s20], [sflag:$0x2] =	stream.indirect.gather [hbm4b:s4+s18], $0x80, s28, s18, $0xb8;
	[tilespmem:$0x1E400] =	vst v63  }
0x7f: {  	p0 =	sne.s32 s26, $0x4800;
	_ =	swait.ge [sflag:s16], $0x4000  }
0x80: {  	[sflag:s16] =	ssyncset.done $0x0  }
0x81: {  	s26 =	sadd.s32 $0x1400, s25;
	[sflag:s16] =	ssyncadd.s32 $0xFFFFC000  }
0x82: {  	[spmem:s1] =	stream.indirect.scatter.add.f32 [tilespmem:s19], [sflag:$0x3], $0x80, s26, s18, $0xb8;
	[tilespmem:$0x1E400] =	vst v63  }
0x83: {  	_ =	swait.ge [sflag:s15], $0x4000  }
0x84: {  	[sflag:s15] =	ssyncset.done $0x0  }
0x85: {  	s26 =	sadd.s32 $0x100, s25;
	[sflag:s15] =	ssyncadd.s32 $0xFFFFC000  }
0x86: {  	[tilespmem:s19], [sflag:$0x1] =	stream.indirect.gather [hbm4b:s4+s18], $0x80, s26, s18, $0xb8;
	[tilespmem:$0x1E400] =	vst v63  }
0x87: {  	_ =	swait.ge [sflag:s17], $0x4000  }
.Ltmp1:
0x88: {  	[sflag:s17] =	ssyncset.done $0x0;
	(pc) =	sbr.rel @p0 .LBB2_4-.Ltmp1, $4  }
0x89: {  	s25 =	sadd.s32 $0x1480, s25;
	[sflag:s17] =	ssyncadd.s32 $0xFFFFC000  }
0x8a: {  	[spmem:s1] =	stream.indirect.scatter.add.f32 [tilespmem:s20], [sflag:$0x3], $0x80, s25, s18, $0xb8;
	[tilespmem:$0x1E400] =	vst v63  }
0x8b: {  	_ =	swait.ge [sflag:s15], $0x4000  }
0x8c: {  	s26 =	smov.u32 s30;
	s25 =	sshra.s32 s29, $0x2;
	[sflag:s15] =	ssyncset.done $0x0  }
0x8d: {  	s26 =	sadd.s32 $0x80, s25;
	[sflag:s15] =	ssyncadd.s32 $0xFFFFC000  }
0x8e: {  	[tilespmem:s20], [sflag:$0x2] =	stream.indirect.gather [hbm4b:s4+s18], $0x80, s26, s18, $0xb8;
	[tilespmem:$0x1E400] =	vst v63  }
0x8f: {  	_ =	swait.ge [sflag:s16], $0x4000  }
0x90: {  	[sflag:s16] =	ssyncset.done $0x0  }
0x91: {  	s29 =	sadd.s32 $0x1400, s25;
	[sflag:s16] =	ssyncadd.s32 $0xFFFFC000  }
0x92: {  	[spmem:s1] =	stream.indirect.scatter.add.f32 [tilespmem:s19], [sflag:$0x3], $0x80, s29, s18, $0xb8;
	[tilespmem:$0x1E400] =	vst v63  }
0x93: {  	_ =	swait.ge [sflag:s15], $0x4000  }
0x94: {  	[sflag:s15] =	ssyncset.done $0x0  }
0x95: {  	s30 =	sadd.s32 $0x100, s25;
	[sflag:s15] =	ssyncadd.s32 $0xFFFFC000  }
0x96: {  	[tilespmem:s19], [sflag:$0x1] =	stream.indirect.gather [hbm4b:s4+s18], $0x80, s30, s18, $0xb8;
	[tilespmem:$0x1E400] =	vst v63  }
0x97: {  	_ =	swait.ge [sflag:s17], $0x4000  }
0x98: {  	[sflag:s17] =	ssyncset.done $0x0  }
0x99: {  	s31 =	sadd.s32 $0x1480, s25;
	[sflag:s17] =	ssyncadd.s32 $0xFFFFC000  }
0x9a: {  	[spmem:s1] =	stream.indirect.scatter.add.f32 [tilespmem:s20], [sflag:$0x3], $0x80, s31, s18, $0xb8;
	[tilespmem:$0x1E400] =	vst v63  }
0x9b: {  	_ =	swait.ge [sflag:s15], $0x4000  }
0x9c: {  	[sflag:s15] =	ssyncset.done $0x0  }
0x9d: {  	[sflag:s15] =	ssyncadd.s32 $0xFFFFC000  }
0x9e: {  	[tilespmem:s20], [sflag:$0x2] =	stream.indirect.gather [hbm4b:s4+s18], $0x80, s21, s18, $0xb8;
	[tilespmem:$0x1E400] =	vst v63  }
0x9f: {  	_ =	swait.ge [sflag:s16], $0x4000  }
0xa0: {  	[sflag:s16] =	ssyncset.done $0x0  }
0xa1: {  	[sflag:s16] =	ssyncadd.s32 $0xFFFFC000  }
0xa2: {  	[spmem:s1] =	stream.indirect.scatter.add.f32 [tilespmem:s19], [sflag:$0x3], $0x80, s22, s18, $0xb8;
	[tilespmem:$0x1E400] =	vst v63  }
0xa3: {  	_ =	swait.ge [sflag:s15], $0x4000  }
0xa4: {  	[sflag:s15] =	ssyncset.done $0x0  }
0xa5: {  	[sflag:s15] =	ssyncadd.s32 $0xFFFFC000  }
0xa6: {  	_ =	swait.ge [sflag:s17], $0x4000  }
0xa7: {  	[sflag:s17] =	ssyncset.done $0x0  }
0xa8: {  	[sflag:s17] =	ssyncadd.s32 $0xFFFFC000  }
0xa9: {  	[spmem:s1] =	stream.indirect.scatter.add.f32 [tilespmem:s20], [sflag:$0x3], $0x80, s23, s18, $0xb8;
	[tilespmem:$0x1E400] =	vst v63  }
0xaa: {  	_ =	swait.ge [sflag:s15], $0x4000  }
0xab: {  	s24 =	sadd.s32 $0x1, s24;
	[sflag:s15] =	ssyncset.done $0x0  }
0xac: {  	p0 =	sne.s32 s24, s9;
	[sflag:s15] =	ssyncadd.s32 $0xFFFFC000  }
.Ltmp2:
0xad: {  	[bflag:$0x0] =	sbarrier.arrive $0xFFFF;
	(pc) =	sbr.rel @p0 .LBB2_1-.Ltmp2, $4  }
0xae: {  	[hbm:s12], [sflag:s11] =	dma.local [spmem:s14], $0x2780  }
0xaf: {  	_ =	swait.ge [sflag:s15], $0x2780  }
0xb0: {  	[sflag:s15] =	ssyncset.done $0x0  }
0xb1: {  	[sflag:s15] =	ssyncadd.s32 $0xFFFFD880  }
0xb2: {  	_ =	sfence.sel $0x180000  }
0xb3: {  	[bflag:$0x0] =	sbarrier.arrive $0xFFFF  }
0xb4: {  	p0 =	sne.s32 s2, $0x0;
	_ =	strace $0x9000004A  }
0xb5: {  	s0 =	sadd.s32 @!p0 $0x100000, s0;
	[bflag:$0x2] =	sbarrier.arrive $0xFFFF  }
0xb6: {  	[sflag:s0] =	ssyncadd.tile.s32 @!p0 $0x1;
	_ =	shalt  }
.Lfunc_end2:
_tile_overlayer_lowered:
.L_overlay_start_2:
0xb7: {  	(tag) =	ssettag $0x2  }
0xb8: {  	s0 =	rddreg [dreg:$0x0];
	s2 =	stileid.u32  }
0xb9: {  	s1 =	rddreg [dreg:$0x1];
	p0 =	sne.s32 s2, $0x0  }
0xba: {  	s3 =	rddreg [dreg:$0x2];
	[bflag:$0x3] =	sbarrier.arrive $0xFFFF;
	s2 =	simm.s32 @!p0 $0x1C03  }
0xbb: {  	[timem:s3], [sflag:s2] =	dma.local @!p0 [hbm:s0], s1  }
0xbc: {  	s0 =	simm.s32 @!p0 $0x3  }
0xbd: {  	_ =	swait.ge @!p0 [sflag:s0], s1  }
0xbe: {  	s1 =	ssub.s32 @!p0 $0x0, s1;
	[sflag:s0] =	ssyncset.done @!p0 $0x0  }
0xbf: {  	[sflag:s0] =	ssyncadd.s32 @!p0 s1  }
0xc0: {  	[bflag:$0x3] =	sbarrier.arrive $0xFFFF  }
0xc1: {  	_ =	shalt  }

// kernel: kernel.14.cloned.1.call-start
scs
__scs_entry_jumppad:
0x0: {  	(pc) =	sbr.rel $0x88, $3  }
0x1: {  	(tag) =	ssettag $0x0;
	lr =	simm.s32 $0x1  }
0x2: {  	[smem:$0x3F9B] =	sst lr;
	_ =	strace $0xD0000000  }
0x3: {  	_ = 	snop  }
0x4: {  	_ = 	snop  }
0x5: {  	_ = 	snop  }
0x6: {  	_ = 	snop  }
0x7: {  	_ = 	snop  }
__scs_overlays_trampoline_lowered:
0x8: {  	[smem:$0x3FAA] =	sst s0  }
0x9: {  	[smem:$0x3FAB] =	sst s1  }
0xa: {  	[smem:$0x3FAC] =	sst s2  }
0xb: {  	[smem:$0x3FAD] =	sst s3  }
0xc: {  	[smem:$0x3FAE] =	sst s4  }
0xd: {  	[smem:$0x3FAF] =	sst s5  }
0xe: {  	[smem:$0x3FB0] =	sst s6  }
0xf: {  	[smem:$0x3FB1] =	sst s7  }
0x10: {  	[smem:$0x3FB2] =	sst s8  }
0x11: {  	[smem:$0x3FB3] =	sst s9;
	s0 =	simm.s32 @!p0 $0x0  }
0x12: {  	s1 =	sld [smem:$0x3F99];
	s0 =	simm.s32 @p0 $0x1  }
0x13: {  	[smem:$0x3FB4] =	sst s0;
	s0 =	simm.s32 @!p1 $0x0  }
0x14: {  	s2 =	sld [smem:$0x3F98];
	s0 =	simm.s32 @p1 $0x1  }
0x15: {  	[smem:$0x3FB5] =	sst s0;
	s0 =	simm.s32 @!p2 $0x0  }
0x16: {  	s3 =	sld [smem:$0x3FDB];
	s0 =	simm.s32 @p2 $0x1  }
0x17: {  	s4 =	simm.s32 $0x1BF5;
	[smem:$0x3FB7] =	sst s0  }
0x18: {  	s0 =	sld [smem:$0x3F9A];
	_ =	swait.ge [sflag:s4], $0x0  }
0x19: {  	s7 =	sld [smem:$0x3F9B]  }
0x1a: {  	s8 =	sadd.s32 $0xFFFFE003, lr  }
0x1b: {  	s9 =	sadd.s32 $0xFFFFFEF7, lr;
	s5 =	simm.s32 $0xFFFFFFFF;
	p2 =	slt.u32 s8, $0xFFFFF086  }
0x1c: {  	p1 =	slt.u32 s9, $0xF7A;
	s5 =	simm.s32 @!p2 $0x0  }
0x1d: {  	s5 =	simm.s32 @p1 $0x1;
	p0 =	seq.s32 s7, s2  }
0x1e: {  	s7 =	smul.u32 @!p0 $0xF7A, s2;
	p2 =	seq.s32 @!p0 s5, $0x0  }
0x1f: {  	s9 =	smul.u32 $0xF7A, s1;
	s8 =	simm.s32 @!p0 $0x1BF5;
	p2 =	por !p2, p0  }
0x20: {  	[sflag:s8] =	ssyncset.s32 @!p0 $0xFFFFF086;
	s6 =	sadd.s32 @!p0 s3, s7;
	s7 =	simm.s32 @!p0 $0x108  }
0x21: {  	s3 =	sadd.s32 s3, s9;
	s6 =	sadd.s32 @!p0 $0x88, s6;
	s7 =	simm.s32 @p2 $0x1082  }
0x22: {  	[simem:s7], [sflag:s8] =	dma.local @!p0 [hbm:s6], $0xF7A  }
0x23: {  	s9 =	sor.u32 $0xD0000000, s2;
	s6 =	simm.s32 $0x108;
	_ =	swait.ge @!p0 [sflag:s8], $0x0  }
0x24: {  	s3 =	sadd.s32 $0x88, s3;
	s6 =	simm.s32 @!p1 $0x1082;
	[sflag:s4] =	ssyncset.s32 $0xFFFFF086  }
0x25: {  	[simem:s6], [sflag:s4] =	dma.local [hbm:s3], $0xF7A  }
0x26: {  	[smem:$0x3F9B] =	sst s1;
	(tag) =	ssettag s2;
	_ =	strace s9  }
0x27: {  	s1 =	sld [smem:$0x3FAB]  }
0x28: {  	s2 =	sld [smem:$0x3FAC]  }
0x29: {  	s4 =	sld [smem:$0x3FAE]  }
0x2a: {  	p0 =	seq.s32 s5, $0x0;
	s5 =	sld [smem:$0x3FAF]  }
0x2b: {  	s6 =	sld [smem:$0x3FB0]  }
0x2c: {  	s7 =	sld [smem:$0x3FB1]  }
0x2d: {  	s3 =	simm.s32 $0x108;
	s8 =	sld [smem:$0x3FB2]  }
0x2e: {  	s3 =	simm.s32 @!p0 $0x1082;
	s9 =	sld [smem:$0x3FB3]  }
0x2f: {  	lr =	sadd.s32 s0, s3;
	s0 =	sld [smem:$0x3FAA]  }
0x30: {  	s3 =	sld [smem:$0x3FAD]  }
0x31: {  	[smem:$0x3FB6] =	sst s10  }
0x32: {  	s10 =	sld [smem:$0x3FB4];
	_ =	sdelay $0x3  }
0x33: {  	p0 =	seq.s32 s10, $0x1;
	s10 =	sld [smem:$0x3FB6];
	_ =	sdelay $0x3  }
0x34: {  	[smem:$0x3FB6] =	sst s10  }
0x35: {  	s10 =	sld [smem:$0x3FB5];
	_ =	sdelay $0x3  }
0x36: {  	p1 =	seq.s32 s10, $0x1;
	s10 =	sld [smem:$0x3FB6];
	_ =	sdelay $0x3  }
0x37: {  	[smem:$0x3FB6] =	sst s10  }
0x38: {  	s10 =	sld [smem:$0x3FB7]  }
0x39: {  	_ = 	snop;
	(pc) =	sbr.ind lr, $3  }
0x3a: {  	_ = 	snop  }
0x3b: {  	_ = 	snop  }
0x3c: {  	p2 =	seq.s32 s10, $0x1;
	s10 =	sld [smem:$0x3FB6]  }
0x3d: {  	_ =	shalt  }
0x3e: {  	_ =	shalt  }
0x3f: {  	_ =	shalt  }
0x40: {  	_ =	shalt  }
0x41: {  	_ =	shalt  }
0x42: {  	_ =	shalt  }
0x43: {  	_ =	shalt  }
0x44: {  	_ =	shalt  }
0x45: {  	_ =	shalt  }
0x46: {  	_ =	shalt  }
0x47: {  	_ =	shalt  }
0x48: {  	_ =	shalt  }
0x49: {  	_ =	shalt  }
0x4a: {  	_ =	shalt  }
0x4b: {  	_ =	shalt  }
0x4c: {  	_ =	shalt  }
0x4d: {  	_ =	shalt  }
0x4e: {  	_ =	shalt  }
0x4f: {  	_ =	shalt  }
0x50: {  	_ =	shalt  }
0x51: {  	_ =	shalt  }
0x52: {  	_ =	shalt  }
0x53: {  	_ =	shalt  }
0x54: {  	_ =	shalt  }
0x55: {  	_ =	shalt  }
0x56: {  	_ =	shalt  }
0x57: {  	_ =	shalt  }
0x58: {  	_ =	shalt  }
0x59: {  	_ =	shalt  }
0x5a: {  	_ =	shalt  }
0x5b: {  	_ =	shalt  }
0x5c: {  	_ =	shalt  }
0x5d: {  	_ =	shalt  }
0x5e: {  	_ =	shalt  }
0x5f: {  	_ =	shalt  }
0x60: {  	_ =	shalt  }
0x61: {  	_ =	shalt  }
0x62: {  	_ =	shalt  }
0x63: {  	_ =	shalt  }
0x64: {  	_ =	shalt  }
0x65: {  	_ =	shalt  }
0x66: {  	_ =	shalt  }
0x67: {  	_ =	shalt  }
0x68: {  	_ =	shalt  }
0x69: {  	_ =	shalt  }
0x6a: {  	_ =	shalt  }
0x6b: {  	_ =	shalt  }
0x6c: {  	_ =	shalt  }
0x6d: {  	_ =	shalt  }
0x6e: {  	_ =	shalt  }
0x6f: {  	_ =	shalt  }
0x70: {  	_ =	shalt  }
0x71: {  	_ =	shalt  }
0x72: {  	_ =	shalt  }
0x73: {  	_ =	shalt  }
0x74: {  	_ =	shalt  }
0x75: {  	_ =	shalt  }
0x76: {  	_ =	shalt  }
0x77: {  	_ =	shalt  }
0x78: {  	_ =	shalt  }
0x79: {  	_ =	shalt  }
0x7a: {  	_ =	shalt  }
0x7b: {  	_ =	shalt  }
0x7c: {  	_ =	shalt  }
0x7d: {  	_ =	shalt  }
0x7e: {  	_ =	shalt  }
0x7f: {  	_ =	shalt  }
0x80: {  	_ =	shalt  }
0x81: {  	_ =	shalt  }
0x82: {  	_ =	shalt  }
0x83: {  	_ =	shalt  }
0x84: {  	_ =	shalt  }
0x85: {  	_ =	shalt  }
0x86: {  	_ =	shalt  }
0x87: {  	_ =	shalt  }
.Lfunc_end0:
.L_simem_size_0:
called_computation.2_lowered:
.L_overlay_start_0:
0x88: {  	s2 =	sld [smem:$0x3FD9]  }
0x89: {  	s3 =	sld [smem:$0x3FFE];
	_ =	sdelay $0x1  }
0x8a: {  	s1 =	srdreg.scid  }
0x8b: {  	s0 =	sand.u32 $0x1, s1  }
0x8c: {  	s17 =	sshll.u32 s0, $0xA;
	s2 =	sadd.s32 s3, s2  }
0x8d: {  	s2 =	sadd.s32 s2, s17  }
0x8e: {  	[smem:$0x3FC2] =	sst s2  }
0x8f: {  	_ = 	snop  }
0x90: {  	s2 =	sld [smem:$0x3FD0];
	(tm) =	ssettm $0x1  }
0x91: {  	s18 =	sld [smem:$0x3FFB];
	_ =	sdelay $0x3  }
0x92: {  	_ =	strace s18  }
0x93: {  	s3 =	sld [smem:$0x3FFC];
	_ =	sdelay $0x3  }
0x94: {  	_ =	strace s3  }
0x95: {  	s3 =	sld [smem:$0x3FFD];
	_ =	sdelay $0x3  }
0x96: {  	_ =	strace s3  }
0x97: {  	_ =	strace $0x8FFFFFFF  }
0x98: {  	s19 =	sld [smem:$0x3FDB];
	_ =	sdelay $0x1  }
0x99: {  	s4 =	simm.s32 $_scs_section_size  }
0x9a: {  	s5 =	simm.s32 $_size__tile_overlayer_lowered;
	s6 =	simm.s32 $_tile_overlayer_lowered  }
0x9b: {  	s22 =	simm.s32 $0x1BFF;
	s21 =	sshll.u32 s6, $0x1;
	s3 =	sadd.s32 s4, s19  }
0x9c: {  	s7 =	simm.s32 $0x0;
	s20 =	sshll.u32 s5, $0x1;
	s5 =	sadd.s32 s21, s3  }
0x9d: {  	[timem:s7], [sflag:s22] =	dma.local [hbm:s5], s20  }
0x9e: {  	_ =	swait.ge [sflag:s22], s20  }
0x9f: {  	s4 =	ssub.s32 $0x0, s20;
	[sflag:s22] =	ssyncset.done $0x0  }
0xa0: {  	[sflag:s22] =	ssyncadd.s32 s4;
	_ =	sdelay $0x1  }
0xa1: {  	s23 =	simm.s32 $0x1B8B  }
0xa2: {  	_ =	swait.ge [sflag:s23], $0x1  }
0xa3: {  	[sflag:s23] =	ssyncset.done $0x0  }
0xa4: {  	s25 =	simm.s32 $0x1B8E;
	s24 =	sld [smem:$0x3FFE];
	[sflag:s23] =	ssyncadd.s32 $0xFFFFFFFF  }
0xa5: {  	s26 =	simm.s32 $execute0_lowered;
	[smem:$0x3FD2] =	sst s25  }
0xa6: {  	s5 =	sshll.u32 s26, $0x1;
	_ =	strace $0x8000004C;
	[dreg:$0x1] =	wrdreg $0xFFFFFFFF  }
0xa7: {  	s28 =	simm.s32 $_size_execute0_lowered;
	s3 =	sadd.s32 s3, s5;
	[dreg:$0x0] =	wrdreg $0x0  }
0xa8: {  	s5 =	sshll.u32 s28, $0x1;
	[dreg:$0x2] =	wrdreg s3  }
0xa9: {  	[dreg:$0x3] =	wrdreg s5  }
0xaa: {  	[dreg:$0x4] =	wrdreg $0xC0  }
0xab: {  	_ =	task [dreg:s7], $0x5FFFF  }
0xac: {  	[dreg:$0x1] =	wrdreg $0xFFFFFFFF  }
0xad: {  	[dreg:$0x0] =	wrdreg $0x60  }
0xae: {  	[dreg:$0x2] =	wrdreg s24  }
0xaf: {  	[dreg:$0x3] =	wrdreg s2  }
0xb0: {  	[dreg:$0x4] =	wrdreg $0x90000  }
0xb1: {  	[dreg:$0x5] =	wrdreg $0x9  }
0xb2: {  	_ =	task.clear_ibuf [dreg:s7], $0x6FFFF;
	_ =	strace $0x9000004C  }
0xb3: {  	s29 =	simm.s32 $0x9;
	_ =	strace $0x8000004E  }
0xb4: {  	_ =	swait.ge [sflag:s29], $0x1  }
0xb5: {  	[sflag:s29] =	ssyncadd.s32 $0xFFFFFFFF  }
0xb6: {  	_ =	strace $0x9000004E  }
0xb7: {  	_ =	sfence  }
0xb8: {  	s30 =	sld [smem:$0x0];
	_ =	sdelay $0x2  }
0xb9: {  	s31 =	sshll.u32 s1, $0xD;
	s1 =	sshrl.u32 s1, $0x2  }
0xba: {  	s3 =	sand.u32 $0x4000, s31;
	s1 =	sadd.s32 s1, s30  }
0xbb: {  	s0 =	sor.u32 s3, s0;
	s1 =	sshll.u32 s1, $0x11  }
0xbc: {  	s0 =	sor.u32 s1, s0  }
0xbd: {  	s0 =	sadd.s32 $0x8F2B, s0  }
0xbe: {  	[sflag:s0] =	ssyncadd.remote.s32 $0x1  }
0xbf: {  	_ =	sfence.sel $0xFFFF  }
0xc0: {  	[dreg:$0x0] =	wrdreg $0xFFFFFFFF;
	(pc) =	sbr.abs _section_cstart, $3  }
0xc1: {  	[dreg:$0x1] =	wrdreg $0xFFFFFFFF  }
0xc2: {  	_ =	task.clear_ibuf [dreg:s7], $0x2FFFF;
	_ =	strace $0x9FFFFFFF  }
0xc3: {  	(tm) =	ssettm $0x7FFFFFFF  }
tec
execute0_lowered:
.L_overlay_start_1:
0x0: {  	(tag) =	ssettag $0x1  }
0x1: {  	s5 =	rddreg [dreg:$0x0]  }
0x2: {  	s0 =	srdreg.scid;
	s2 =	rddreg [dreg:$0x1]  }
0x3: {  	s3 =	rddreg [dreg:$0x2];
	s4 =	simm.s32 $0x0;
	s15 =	simm.s32 $0x2  }
0x4: {  	s16 =	simm.s32 $0x80;
	s17 =	simm.s32 $0x5000;
	s18 =	simm.s32 $0x7000  }
0x5: {  	s19 =	simm.s32 $0x2780;
	s20 =	simm.s32 $0x4F00;
	s21 =	simm.s32 $0x4F80  }
0x6: {  	s22 =	simm.s32 $0x0;
	s7 =	sand.u32 $0x1, s0;
	s0 =	stileid.u32  }
0x7: {  	[smem:$0x7FF] =	sst s4;
	s9 =	sadd.s32 $0x16E00, s5;
	s10 =	sadd.s32 $0x3E600, s5  }
0x8: {  	s12 =	sadd.s32 $0x2AA00, s5;
	s1 =	sshll.u32 s7, $0x4;
	s8 =	ssub.s32 $0x2, s7  }
0x9: {  	s31 =	smul.u32 $0x9E00, s0;
	p0 =	seq.s32 s7, $0x0;
	s14 =	sshll.u32 s0, $0x6  }
0xa: {  	s6 =	sor.u32 s0, s1;
	s1 =	rddreg [dreg:$0x3];
	_ =	strace $0x8000004D  }
0xb: {  	s11 =	sshrl.u32 s8, $0x1;
	s9 =	smov.u32 @p0 s2;
	s12 =	smov.u32 @p0 s10  }
0xc: {  	s6 =	smul.u32 $0x500, s6;
	s8 =	ssub.s32 s8, s11;
	s11 =	sshrl.u32 s31, $0x3  }
0xd: {  	s13 =	sadd.s32 s31, s3;
	s7 =	smax.u32 s8, $0x1;
	s8 =	sadd.s32 s9, s11  }
0xe: {  	s9 =	sor.u32 $0x1C03, s14;
	s10 =	sadd.s32 s12, s11;
	s11 =	simm.s32 $0x2800  }
0xf: {  	s12 =	sshrl.u32 s13, $0x3;
	s13 =	simm.s32 $0x3;
	s6 =	sadd.s32 s6, s5  }
0x10: {  	s14 =	simm.s32 $0x1;
	s5 =	sadd.s32 $0x2E00, s6;
	s6 =	sadd.s32 $0xCE00, s6  }
.LBB2_1:
0x11: {  	[tilespmem:s4], [sflag:$0x1] =	stream.linear.gather [hbm4b:s5+s4], $0x2800, $0x38;
	[tilespmem:$0x12E00] =	vst v63  }
0x12: {  	_ = 	snop  }
0x13: {  	[tilespmem:s11], [sflag:$0x2] =	stream.linear.gather [hbm4b:s6+s4], $0x2800, $0x38;
	[tilespmem:$0x12E00] =	vst v63  }
0x14: {  	[spmem:s12], [sflag:s9] =	dma.local [hbm:s8], $0x13C0  }
0x15: {  	_ =	swait.ge [sflag:s13], $0x13C0  }
0x16: {  	[sflag:s13] =	ssyncset.done $0x0  }
0x17: {  	[sflag:s13] =	ssyncadd.s32 $0xFFFFEC40  }
0x18: {  	_ =	swait.ge [sflag:s14], $0x2800  }
0x19: {  	[sflag:s14] =	ssyncset.done $0x0  }
0x1a: {  	[sflag:s14] =	ssyncadd.s32 $0xFFFFD800  }
0x1b: {  	_ =	swait.ge [sflag:s15], $0x2800  }
0x1c: {  	[sflag:s15] =	ssyncset.done $0x0  }
0x1d: {  	[sflag:s15] =	ssyncadd.s32 $0xFFFFD800  }
0x1e: {  	[bflag:$0x0] =	sbarrier.arrive $0xFFFF  }
0x1f: {  	[tilespmem:s17], [sflag:$0x1] =	stream.indirect.gather [hbm4b:s2+s16], $0x40, s4, s16, $0xb8;
	[tilespmem:$0x12E00] =	vst v63  }
0x20: {  	s23 =	simm.s32 $0x80  }
0x21: {  	[tilespmem:s18], [sflag:$0x2] =	stream.indirect.gather [hbm4b:s2+s16], $0x40, s23, s16, $0xb8;
	[tilespmem:$0x12E00] =	vst v63  }
0x22: {  	_ =	swait.ge [sflag:s14], $0x2000  }
0x23: {  	[sflag:s14] =	ssyncset.done $0x0  }
0x24: {  	s29 =	simm.s32 $0x2800;
	[sflag:s14] =	ssyncadd.s32 $0xFFFFE000  }
0x25: {  	[spmem:s3] =	stream.indirect.scatter.add.f32 [tilespmem:s17], [sflag:$0x3], $0x40, s29, s16, $0xb8;
	[tilespmem:$0x12E00] =	vst v63  }
0x26: {  	_ =	swait.ge [sflag:s13], $0x2000  }
0x27: {  	[sflag:s13] =	ssyncset.done $0x0  }
0x28: {  	s30 =	simm.s32 $0x100;
	[sflag:s13] =	ssyncadd.s32 $0xFFFFE000  }
0x29: {  	[tilespmem:s17], [sflag:$0x1] =	stream.indirect.gather [hbm4b:s2+s16], $0x40, s30, s16, $0xb8;
	[tilespmem:$0x12E00] =	vst v63  }
0x2a: {  	_ =	swait.ge [sflag:s15], $0x2000  }
0x2b: {  	[sflag:s15] =	ssyncset.done $0x0  }
0x2c: {  	s31 =	simm.s32 $0x2880;
	[sflag:s15] =	ssyncadd.s32 $0xFFFFE000  }
0x2d: {  	[spmem:s3] =	stream.indirect.scatter.add.f32 [tilespmem:s18], [sflag:$0x3], $0x40, s31, s16, $0xb8;
	[tilespmem:$0x12E00] =	vst v63  }
0x2e: {  	_ =	swait.ge [sflag:s13], $0x2000  }
0x2f: {  	s24 =	simm.s32 $0x800;
	s23 =	simm.s32 $0x100;
	[sflag:s13] =	ssyncset.done $0x0  }
.LBB2_2:
0x30: {  	s25 =	sadd.s32 $0x80, s23  }
0x31: {  	[sflag:s13] =	ssyncadd.s32 $0xFFFFE000;
	s26 =	smov.u32 s24;
	s28 =	sadd.s32 $0x400, s24  }
0x32: {  	[tilespmem:s18], [sflag:$0x2] =	stream.indirect.gather [hbm4b:s2+s16], $0x40, s25, s16, $0xb8;
	[tilespmem:$0x12E00] =	vst v63  }
0x33: {  	p0 =	sne.s32 s24, $0x9800;
	_ =	swait.ge [sflag:s14], $0x2000  }
0x34: {  	[sflag:s14] =	ssyncset.done $0x0  }
0x35: {  	s24 =	sadd.s32 $0x2800, s23;
	[sflag:s14] =	ssyncadd.s32 $0xFFFFE000  }
0x36: {  	[spmem:s3] =	stream.indirect.scatter.add.f32 [tilespmem:s17], [sflag:$0x3], $0x40, s24, s16, $0xb8;
	[tilespmem:$0x12E00] =	vst v63  }
0x37: {  	_ =	swait.ge [sflag:s13], $0x2000  }
0x38: {  	[sflag:s13] =	ssyncset.done $0x0  }
0x39: {  	s24 =	sadd.s32 $0x100, s23;
	[sflag:s13] =	ssyncadd.s32 $0xFFFFE000  }
0x3a: {  	[tilespmem:s17], [sflag:$0x1] =	stream.indirect.gather [hbm4b:s2+s16], $0x40, s24, s16, $0xb8;
	[tilespmem:$0x12E00] =	vst v63  }
0x3b: {  	_ =	swait.ge [sflag:s15], $0x2000  }
.Ltmp0:
0x3c: {  	[sflag:s15] =	ssyncset.done $0x0;
	(pc) =	sbr.rel @p0 .LBB2_2-.Ltmp0, $4  }
0x3d: {  	s23 =	sadd.s32 $0x2880, s23;
	[sflag:s15] =	ssyncadd.s32 $0xFFFFE000  }
0x3e: {  	[spmem:s3] =	stream.indirect.scatter.add.f32 [tilespmem:s18], [sflag:$0x3], $0x40, s23, s16, $0xb8;
	[tilespmem:$0x12E00] =	vst v63  }
0x3f: {  	_ =	swait.ge [sflag:s13], $0x2000  }
0x40: {  	s24 =	smov.u32 s28;
	s23 =	sshra.s32 s26, $0x2;
	[sflag:s13] =	ssyncset.done $0x0  }
0x41: {  	s24 =	sadd.s32 $0x80, s23;
	[sflag:s13] =	ssyncadd.s32 $0xFFFFE000  }
0x42: {  	[tilespmem:s18], [sflag:$0x2] =	stream.indirect.gather [hbm4b:s2+s16], $0x40, s24, s16, $0xb8;
	[tilespmem:$0x12E00] =	vst v63  }
0x43: {  	_ =	swait.ge [sflag:s14], $0x2000  }
0x44: {  	[sflag:s14] =	ssyncset.done $0x0  }
0x45: {  	s29 =	sadd.s32 $0x2800, s23;
	[sflag:s14] =	ssyncadd.s32 $0xFFFFE000  }
0x46: {  	[spmem:s3] =	stream.indirect.scatter.add.f32 [tilespmem:s17], [sflag:$0x3], $0x40, s29, s16, $0xb8;
	[tilespmem:$0x12E00] =	vst v63  }
0x47: {  	_ =	swait.ge [sflag:s13], $0x2000  }
0x48: {  	[sflag:s13] =	ssyncset.done $0x0  }
0x49: {  	s30 =	sadd.s32 $0x100, s23;
	[sflag:s13] =	ssyncadd.s32 $0xFFFFE000  }
0x4a: {  	[tilespmem:s17], [sflag:$0x1] =	stream.indirect.gather [hbm4b:s2+s16], $0x40, s30, s16, $0xb8;
	[tilespmem:$0x12E00] =	vst v63  }
0x4b: {  	_ =	swait.ge [sflag:s15], $0x2000  }
0x4c: {  	[sflag:s15] =	ssyncset.done $0x0  }
0x4d: {  	s31 =	sadd.s32 $0x2880, s23;
	[sflag:s15] =	ssyncadd.s32 $0xFFFFE000  }
0x4e: {  	[spmem:s3] =	stream.indirect.scatter.add.f32 [tilespmem:s18], [sflag:$0x3], $0x40, s31, s16, $0xb8;
	[tilespmem:$0x12E00] =	vst v63  }
0x4f: {  	_ =	swait.ge [sflag:s13], $0x2000  }
0x50: {  	[sflag:s13] =	ssyncset.done $0x0  }
0x51: {  	[sflag:s13] =	ssyncadd.s32 $0xFFFFE000  }
0x52: {  	[tilespmem:s18], [sflag:$0x2] =	stream.indirect.gather [hbm4b:s2+s16], $0x40, s19, s16, $0xb8;
	[tilespmem:$0x12E00] =	vst v63  }
0x53: {  	_ =	swait.ge [sflag:s14], $0x2000  }
0x54: {  	[sflag:s14] =	ssyncset.done $0x0  }
0x55: {  	[sflag:s14] =	ssyncadd.s32 $0xFFFFE000  }
0x56: {  	[spmem:s3] =	stream.indirect.scatter.add.f32 [tilespmem:s17], [sflag:$0x3], $0x40, s20, s16, $0xb8;
	[tilespmem:$0x12E00] =	vst v63  }
0x57: {  	_ =	swait.ge [sflag:s13], $0x2000  }
0x58: {  	[sflag:s13] =	ssyncset.done $0x0  }
0x59: {  	[sflag:s13] =	ssyncadd.s32 $0xFFFFE000  }
0x5a: {  	_ =	swait.ge [sflag:s15], $0x2000  }
0x5b: {  	[sflag:s15] =	ssyncset.done $0x0  }
0x5c: {  	[sflag:s15] =	ssyncadd.s32 $0xFFFFE000  }
0x5d: {  	[spmem:s3] =	stream.indirect.scatter.add.f32 [tilespmem:s18], [sflag:$0x3], $0x40, s21, s16, $0xb8;
	[tilespmem:$0x12E00] =	vst v63  }
0x5e: {  	_ =	swait.ge [sflag:s13], $0x2000  }
0x5f: {  	s22 =	sadd.s32 $0x1, s22;
	[sflag:s13] =	ssyncset.done $0x0  }
0x60: {  	p0 =	sne.s32 s22, s7;
	[sflag:s13] =	ssyncadd.s32 $0xFFFFE000  }
.Ltmp1:
0x61: {  	[bflag:$0x0] =	sbarrier.arrive $0xFFFF;
	(pc) =	sbr.rel @p0 .LBB2_1-.Ltmp1, $4  }
0x62: {  	[hbm:s10], [sflag:s9] =	dma.local [spmem:s12], $0x13C0  }
0x63: {  	_ =	swait.ge [sflag:s13], $0x13C0  }
0x64: {  	[sflag:s13] =	ssyncset.done $0x0  }
0x65: {  	[sflag:s13] =	ssyncadd.s32 $0xFFFFEC40  }
0x66: {  	_ =	sfence.sel $0x180000  }
0x67: {  	[bflag:$0x0] =	sbarrier.arrive $0xFFFF  }
0x68: {  	p0 =	sne.s32 s0, $0x0;
	_ =	strace $0x9000004D  }
0x69: {  	s0 =	sadd.s32 @!p0 $0x100000, s1;
	[bflag:$0x2] =	sbarrier.arrive $0xFFFF  }
0x6a: {  	[sflag:s0] =	ssyncadd.tile.s32 @!p0 $0x1;
	_ =	shalt  }
.Lfunc_end2:
_tile_overlayer_lowered:
.L_overlay_start_2:
0x6b: {  	(tag) =	ssettag $0x2  }
0x6c: {  	s0 =	rddreg [dreg:$0x0];
	s2 =	stileid.u32  }
0x6d: {  	s1 =	rddreg [dreg:$0x1];
	p0 =	sne.s32 s2, $0x0  }
0x6e: {  	s3 =	rddreg [dreg:$0x2];
	[bflag:$0x3] =	sbarrier.arrive $0xFFFF;
	s2 =	simm.s32 @!p0 $0x1C03  }
0x6f: {  	[timem:s3], [sflag:s2] =	dma.local @!p0 [hbm:s0], s1  }
0x70: {  	s0 =	simm.s32 @!p0 $0x3  }
0x71: {  	_ =	swait.ge @!p0 [sflag:s0], s1  }
0x72: {  	s1 =	ssub.s32 @!p0 $0x0, s1;
	[sflag:s0] =	ssyncset.done @!p0 $0x0  }
0x73: {  	[sflag:s0] =	ssyncadd.s32 @!p0 s1  }
0x74: {  	[bflag:$0x3] =	sbarrier.arrive $0xFFFF  }
0x75: {  	_ =	shalt  }

// kernel: kernel.8.cloned.1.call-start
scs
__scs_entry_jumppad:
0x0: {  	(pc) =	sbr.rel $0x88, $3  }
0x1: {  	(tag) =	ssettag $0x0;
	lr =	simm.s32 $0x1  }
0x2: {  	[smem:$0x3F9B] =	sst lr;
	_ =	strace $0xD0000000  }
0x3: {  	_ = 	snop  }
0x4: {  	_ = 	snop  }
0x5: {  	_ = 	snop  }
0x6: {  	_ = 	snop  }
0x7: {  	_ = 	snop  }
__scs_overlays_trampoline_lowered:
0x8: {  	[smem:$0x3FAA] =	sst s0  }
0x9: {  	[smem:$0x3FAB] =	sst s1  }
0xa: {  	[smem:$0x3FAC] =	sst s2  }
0xb: {  	[smem:$0x3FAD] =	sst s3  }
0xc: {  	[smem:$0x3FAE] =	sst s4  }
0xd: {  	[smem:$0x3FAF] =	sst s5  }
0xe: {  	[smem:$0x3FB0] =	sst s6  }
0xf: {  	[smem:$0x3FB1] =	sst s7  }
0x10: {  	[smem:$0x3FB2] =	sst s8  }
0x11: {  	[smem:$0x3FB3] =	sst s9;
	s0 =	simm.s32 @!p0 $0x0  }
0x12: {  	s1 =	sld [smem:$0x3F99];
	s0 =	simm.s32 @p0 $0x1  }
0x13: {  	[smem:$0x3FB4] =	sst s0;
	s0 =	simm.s32 @!p1 $0x0  }
0x14: {  	s2 =	sld [smem:$0x3F98];
	s0 =	simm.s32 @p1 $0x1  }
0x15: {  	[smem:$0x3FB5] =	sst s0;
	s0 =	simm.s32 @!p2 $0x0  }
0x16: {  	s3 =	sld [smem:$0x3FDB];
	s0 =	simm.s32 @p2 $0x1  }
0x17: {  	s4 =	simm.s32 $0x1BF5;
	[smem:$0x3FB7] =	sst s0  }
0x18: {  	s0 =	sld [smem:$0x3F9A];
	_ =	swait.ge [sflag:s4], $0x0  }
0x19: {  	s7 =	sld [smem:$0x3F9B]  }
0x1a: {  	s8 =	sadd.s32 $0xFFFFE003, lr  }
0x1b: {  	s9 =	sadd.s32 $0xFFFFFEF7, lr;
	s5 =	simm.s32 $0xFFFFFFFF;
	p2 =	slt.u32 s8, $0xFFFFF086  }
0x1c: {  	p1 =	slt.u32 s9, $0xF7A;
	s5 =	simm.s32 @!p2 $0x0  }
0x1d: {  	s5 =	simm.s32 @p1 $0x1;
	p0 =	seq.s32 s7, s2  }
0x1e: {  	s7 =	smul.u32 @!p0 $0xF7A, s2;
	p2 =	seq.s32 @!p0 s5, $0x0  }
0x1f: {  	s9 =	smul.u32 $0xF7A, s1;
	s8 =	simm.s32 @!p0 $0x1BF5;
	p2 =	por !p2, p0  }
0x20: {  	[sflag:s8] =	ssyncset.s32 @!p0 $0xFFFFF086;
	s6 =	sadd.s32 @!p0 s3, s7;
	s7 =	simm.s32 @!p0 $0x108  }
0x21: {  	s3 =	sadd.s32 s3, s9;
	s6 =	sadd.s32 @!p0 $0x88, s6;
	s7 =	simm.s32 @p2 $0x1082  }
0x22: {  	[simem:s7], [sflag:s8] =	dma.local @!p0 [hbm:s6], $0xF7A  }
0x23: {  	s9 =	sor.u32 $0xD0000000, s2;
	s6 =	simm.s32 $0x108;
	_ =	swait.ge @!p0 [sflag:s8], $0x0  }
0x24: {  	s3 =	sadd.s32 $0x88, s3;
	s6 =	simm.s32 @!p1 $0x1082;
	[sflag:s4] =	ssyncset.s32 $0xFFFFF086  }
0x25: {  	[simem:s6], [sflag:s4] =	dma.local [hbm:s3], $0xF7A  }
0x26: {  	[smem:$0x3F9B] =	sst s1;
	(tag) =	ssettag s2;
	_ =	strace s9  }
0x27: {  	s1 =	sld [smem:$0x3FAB]  }
0x28: {  	s2 =	sld [smem:$0x3FAC]  }
0x29: {  	s4 =	sld [smem:$0x3FAE]  }
0x2a: {  	p0 =	seq.s32 s5, $0x0;
	s5 =	sld [smem:$0x3FAF]  }
0x2b: {  	s6 =	sld [smem:$0x3FB0]  }
0x2c: {  	s7 =	sld [smem:$0x3FB1]  }
0x2d: {  	s3 =	simm.s32 $0x108;
	s8 =	sld [smem:$0x3FB2]  }
0x2e: {  	s3 =	simm.s32 @!p0 $0x1082;
	s9 =	sld [smem:$0x3FB3]  }
0x2f: {  	lr =	sadd.s32 s0, s3;
	s0 =	sld [smem:$0x3FAA]  }
0x30: {  	s3 =	sld [smem:$0x3FAD]  }
0x31: {  	[smem:$0x3FB6] =	sst s10  }
0x32: {  	s10 =	sld [smem:$0x3FB4];
	_ =	sdelay $0x3  }
0x33: {  	p0 =	seq.s32 s10, $0x1;
	s10 =	sld [smem:$0x3FB6];
	_ =	sdelay $0x3  }
0x34: {  	[smem:$0x3FB6] =	sst s10  }
0x35: {  	s10 =	sld [smem:$0x3FB5];
	_ =	sdelay $0x3  }
0x36: {  	p1 =	seq.s32 s10, $0x1;
	s10 =	sld [smem:$0x3FB6];
	_ =	sdelay $0x3  }
0x37: {  	[smem:$0x3FB6] =	sst s10  }
0x38: {  	s10 =	sld [smem:$0x3FB7]  }
0x39: {  	_ = 	snop;
	(pc) =	sbr.ind lr, $3  }
0x3a: {  	_ = 	snop  }
0x3b: {  	_ = 	snop  }
0x3c: {  	p2 =	seq.s32 s10, $0x1;
	s10 =	sld [smem:$0x3FB6]  }
0x3d: {  	_ =	shalt  }
0x3e: {  	_ =	shalt  }
0x3f: {  	_ =	shalt  }
0x40: {  	_ =	shalt  }
0x41: {  	_ =	shalt  }
0x42: {  	_ =	shalt  }
0x43: {  	_ =	shalt  }
0x44: {  	_ =	shalt  }
0x45: {  	_ =	shalt  }
0x46: {  	_ =	shalt  }
0x47: {  	_ =	shalt  }
0x48: {  	_ =	shalt  }
0x49: {  	_ =	shalt  }
0x4a: {  	_ =	shalt  }
0x4b: {  	_ =	shalt  }
0x4c: {  	_ =	shalt  }
0x4d: {  	_ =	shalt  }
0x4e: {  	_ =	shalt  }
0x4f: {  	_ =	shalt  }
0x50: {  	_ =	shalt  }
0x51: {  	_ =	shalt  }
0x52: {  	_ =	shalt  }
0x53: {  	_ =	shalt  }
0x54: {  	_ =	shalt  }
0x55: {  	_ =	shalt  }
0x56: {  	_ =	shalt  }
0x57: {  	_ =	shalt  }
0x58: {  	_ =	shalt  }
0x59: {  	_ =	shalt  }
0x5a: {  	_ =	shalt  }
0x5b: {  	_ =	shalt  }
0x5c: {  	_ =	shalt  }
0x5d: {  	_ =	shalt  }
0x5e: {  	_ =	shalt  }
0x5f: {  	_ =	shalt  }
0x60: {  	_ =	shalt  }
0x61: {  	_ =	shalt  }
0x62: {  	_ =	shalt  }
0x63: {  	_ =	shalt  }
0x64: {  	_ =	shalt  }
0x65: {  	_ =	shalt  }
0x66: {  	_ =	shalt  }
0x67: {  	_ =	shalt  }
0x68: {  	_ =	shalt  }
0x69: {  	_ =	shalt  }
0x6a: {  	_ =	shalt  }
0x6b: {  	_ =	shalt  }
0x6c: {  	_ =	shalt  }
0x6d: {  	_ =	shalt  }
0x6e: {  	_ =	shalt  }
0x6f: {  	_ =	shalt  }
0x70: {  	_ =	shalt  }
0x71: {  	_ =	shalt  }
0x72: {  	_ =	shalt  }
0x73: {  	_ =	shalt  }
0x74: {  	_ =	shalt  }
0x75: {  	_ =	shalt  }
0x76: {  	_ =	shalt  }
0x77: {  	_ =	shalt  }
0x78: {  	_ =	shalt  }
0x79: {  	_ =	shalt  }
0x7a: {  	_ =	shalt  }
0x7b: {  	_ =	shalt  }
0x7c: {  	_ =	shalt  }
0x7d: {  	_ =	shalt  }
0x7e: {  	_ =	shalt  }
0x7f: {  	_ =	shalt  }
0x80: {  	_ =	shalt  }
0x81: {  	_ =	shalt  }
0x82: {  	_ =	shalt  }
0x83: {  	_ =	shalt  }
0x84: {  	_ =	shalt  }
0x85: {  	_ =	shalt  }
0x86: {  	_ =	shalt  }
0x87: {  	_ =	shalt  }
.Lfunc_end0:
.L_simem_size_0:
called_computation_lowered:
.L_overlay_start_0:
0x88: {  	s2 =	sld [smem:$0x3FD9]  }
0x89: {  	s3 =	sld [smem:$0x3FFE];
	_ =	sdelay $0x1  }
0x8a: {  	s1 =	srdreg.scid  }
0x8b: {  	s0 =	sand.u32 $0x1, s1  }
0x8c: {  	s17 =	sshll.u32 s0, $0xA;
	s2 =	sadd.s32 s3, s2  }
0x8d: {  	s2 =	sadd.s32 s2, s17  }
0x8e: {  	[smem:$0x3FC2] =	sst s2  }
0x8f: {  	_ = 	snop  }
0x90: {  	s2 =	sld [smem:$0x3FD0];
	(tm) =	ssettm $0x1  }
0x91: {  	s18 =	sld [smem:$0x3FFB];
	_ =	sdelay $0x3  }
0x92: {  	_ =	strace s18  }
0x93: {  	s3 =	sld [smem:$0x3FFC];
	_ =	sdelay $0x3  }
0x94: {  	_ =	strace s3  }
0x95: {  	s3 =	sld [smem:$0x3FFD];
	_ =	sdelay $0x3  }
0x96: {  	_ =	strace s3  }
0x97: {  	_ =	strace $0x8FFFFFFF  }
0x98: {  	s19 =	sld [smem:$0x3FDB];
	_ =	sdelay $0x1  }
0x99: {  	s4 =	simm.s32 $_scs_section_size  }
0x9a: {  	s5 =	simm.s32 $_size__tile_overlayer_lowered;
	s6 =	simm.s32 $_tile_overlayer_lowered  }
0x9b: {  	s22 =	simm.s32 $0x1BFF;
	s21 =	sshll.u32 s6, $0x1;
	s3 =	sadd.s32 s4, s19  }
0x9c: {  	s7 =	simm.s32 $0x0;
	s20 =	sshll.u32 s5, $0x1;
	s5 =	sadd.s32 s21, s3  }
0x9d: {  	[timem:s7], [sflag:s22] =	dma.local [hbm:s5], s20  }
0x9e: {  	_ =	swait.ge [sflag:s22], s20  }
0x9f: {  	s4 =	ssub.s32 $0x0, s20;
	[sflag:s22] =	ssyncset.done $0x0  }
0xa0: {  	[sflag:s22] =	ssyncadd.s32 s4;
	_ =	sdelay $0x1  }
0xa1: {  	s23 =	simm.s32 $0x1B8B  }
0xa2: {  	_ =	swait.ge [sflag:s23], $0x1  }
0xa3: {  	[sflag:s23] =	ssyncset.done $0x0  }
0xa4: {  	s25 =	simm.s32 $0x1B8E;
	s24 =	sld [smem:$0x3FFE];
	[sflag:s23] =	ssyncadd.s32 $0xFFFFFFFF  }
0xa5: {  	s26 =	simm.s32 $execute0_lowered;
	[smem:$0x3FD2] =	sst s25  }
0xa6: {  	s5 =	sshll.u32 s26, $0x1;
	_ =	strace $0x80000046;
	[dreg:$0x1] =	wrdreg $0xFFFFFFFF  }
0xa7: {  	s28 =	simm.s32 $_size_execute0_lowered;
	s3 =	sadd.s32 s3, s5;
	[dreg:$0x0] =	wrdreg $0x0  }
0xa8: {  	s5 =	sshll.u32 s28, $0x1;
	[dreg:$0x2] =	wrdreg s3  }
0xa9: {  	[dreg:$0x3] =	wrdreg s5  }
0xaa: {  	[dreg:$0x4] =	wrdreg $0xC0  }
0xab: {  	_ =	task [dreg:s7], $0x5FFFF  }
0xac: {  	[dreg:$0x1] =	wrdreg $0xFFFFFFFF  }
0xad: {  	[dreg:$0x0] =	wrdreg $0x60  }
0xae: {  	[dreg:$0x2] =	wrdreg s24  }
0xaf: {  	[dreg:$0x3] =	wrdreg s2  }
0xb0: {  	[dreg:$0x4] =	wrdreg $0x2B000  }
0xb1: {  	[dreg:$0x5] =	wrdreg $0x9  }
0xb2: {  	_ =	task.clear_ibuf [dreg:s7], $0x6FFFF;
	_ =	strace $0x90000046  }
0xb3: {  	s29 =	simm.s32 $0x9;
	_ =	strace $0x80000048  }
0xb4: {  	_ =	swait.ge [sflag:s29], $0x1  }
0xb5: {  	[sflag:s29] =	ssyncadd.s32 $0xFFFFFFFF  }
0xb6: {  	_ =	strace $0x90000048  }
0xb7: {  	_ =	sfence  }
0xb8: {  	s30 =	sld [smem:$0x0];
	_ =	sdelay $0x2  }
0xb9: {  	s31 =	sshll.u32 s1, $0xD;
	s1 =	sshrl.u32 s1, $0x2  }
0xba: {  	s3 =	sand.u32 $0x4000, s31;
	s1 =	sadd.s32 s1, s30  }
0xbb: {  	s0 =	sor.u32 s3, s0;
	s1 =	sshll.u32 s1, $0x11  }
0xbc: {  	s0 =	sor.u32 s1, s0  }
0xbd: {  	s0 =	sadd.s32 $0x8F2B, s0  }
0xbe: {  	[sflag:s0] =	ssyncadd.remote.s32 $0x1  }
0xbf: {  	_ =	sfence.sel $0xFFFF  }
0xc0: {  	[dreg:$0x0] =	wrdreg $0xFFFFFFFF;
	(pc) =	sbr.abs _section_cstart, $3  }
0xc1: {  	[dreg:$0x1] =	wrdreg $0xFFFFFFFF  }
0xc2: {  	_ =	task.clear_ibuf [dreg:s7], $0x2FFFF;
	_ =	strace $0x9FFFFFFF  }
0xc3: {  	(tm) =	ssettm $0x7FFFFFFF  }
tec
execute0_lowered:
.L_overlay_start_1:
0x0: {  	(tag) =	ssettag $0x1  }
0x1: {  	s4 =	rddreg [dreg:$0x0]  }
0x2: {  	s7 =	rddreg [dreg:$0x1]  }
0x3: {  	s0 =	srdreg.scid;
	s2 =	rddreg [dreg:$0x2]  }
0x4: {  	s3 =	simm.s32 $0x0;
	s6 =	sand.u32 $0x1, s0;
	s0 =	rddreg [dreg:$0x3]  }
0x5: {  	s1 =	stileid.u32;
	s12 =	simm.s32 $0x0;
	[smem:$0x7FF] =	sst s3  }
0x6: {  	s10 =	smul.u32 $0x280, s1;
	s11 =	sadd.s32 $0x16E00, s4;
	s5 =	sshll.u32 s6, $0x4  }
0x7: {  	s8 =	ssub.s32 $0x2, s6;
	_ =	strace $0x80000047;
	p0 =	seq.s32 s6, $0x0  }
0x8: {  	s5 =	sor.u32 s1, s5;
	s9 =	sshrl.u32 s8, $0x1;
	s31 =	sshrl.u32 s10, $0x3  }
0x9: {  	s11 =	smov.u32 @p0 s7;
	s5 =	smul.u32 $0x500, s5;
	s8 =	ssub.s32 s8, s9  }
0xa: {  	s7 =	sadd.s32 s11, s31;
	s9 =	simm.s32 $0x2880;
	s11 =	simm.s32 $0x2800  }
0xb: {  	s6 =	smax.u32 s8, $0x1;
	s8 =	simm.s32 $0x1;
	s5 =	sadd.s32 s5, s4  }
0xc: {  	v0 =	vimm.f32 $0.0e+00;
	v1 =	vimm.f32 $1.000000000e+00;
	s4 =	sadd.s32 $0xCE00, s5;
	s5 =	sadd.s32 s10, s2;
	s10 =	simm.s32 $0x80  }
.LBB2_1:
0xd: {  	[tilespmem:s3], [sflag:$0x1] =	stream.linear.gather [hbm4b:s4+s3], $0x2800, $0x38;
	[tilespmem:$0x2D80] =	vst v63  }
0xe: {  	_ =	swait.ge [sflag:s8], $0x2800  }
0xf: {  	[sflag:s8] =	ssyncset.done $0x0  }
0x10: {  	[sflag:s8] =	ssyncadd.s32 $0xFFFFD800  }
0x11: {  	[tilespmem:$0x2880] =	vst v0  }
0x12: {  	[tilespmem:$0x2890] =	vst v0  }
0x13: {  	[tilespmem:$0x28A0] =	vst v0  }
0x14: {  	[tilespmem:$0x28B0] =	vst v0  }
0x15: {  	[tilespmem:$0x28C0] =	vst v0  }
0x16: {  	[tilespmem:$0x28D0] =	vst v0  }
0x17: {  	[tilespmem:$0x28E0] =	vst v0  }
0x18: {  	[tilespmem:$0x28F0] =	vst v0  }
0x19: {  	[tilespmem:$0x2900] =	vst v0  }
0x1a: {  	[tilespmem:$0x2910] =	vst v0  }
0x1b: {  	[tilespmem:$0x2920] =	vst v0  }
0x1c: {  	[tilespmem:$0x2930] =	vst v0  }
0x1d: {  	[tilespmem:$0x2940] =	vst v0  }
0x1e: {  	[tilespmem:$0x2950] =	vst v0  }
0x1f: {  	[tilespmem:$0x2960] =	vst v0  }
0x20: {  	[tilespmem:$0x2970] =	vst v0  }
0x21: {  	[tilespmem:$0x2980] =	vst v0  }
0x22: {  	[tilespmem:$0x2990] =	vst v0  }
0x23: {  	[tilespmem:$0x29A0] =	vst v0  }
0x24: {  	[tilespmem:$0x29B0] =	vst v0  }
0x25: {  	[tilespmem:$0x29C0] =	vst v0  }
0x26: {  	[tilespmem:$0x29D0] =	vst v0  }
0x27: {  	[tilespmem:$0x29E0] =	vst v0  }
0x28: {  	[tilespmem:$0x29F0] =	vst v0  }
0x29: {  	[tilespmem:$0x2A00] =	vst v0  }
0x2a: {  	[tilespmem:$0x2A10] =	vst v0  }
0x2b: {  	[tilespmem:$0x2A20] =	vst v0  }
0x2c: {  	[tilespmem:$0x2A30] =	vst v0  }
0x2d: {  	[tilespmem:$0x2A40] =	vst v0  }
0x2e: {  	[tilespmem:$0x2A50] =	vst v0  }
0x2f: {  	[tilespmem:$0x2A60] =	vst v0  }
0x30: {  	[tilespmem:$0x2A70] =	vst v0  }
0x31: {  	[tilespmem:$0x2A80] =	vst v0  }
0x32: {  	[tilespmem:$0x2A90] =	vst v0  }
0x33: {  	[tilespmem:$0x2AA0] =	vst v0  }
0x34: {  	[tilespmem:$0x2AB0] =	vst v0  }
0x35: {  	[tilespmem:$0x2AC0] =	vst v0  }
0x36: {  	[tilespmem:$0x2AD0] =	vst v0  }
0x37: {  	[tilespmem:$0x2AE0] =	vst v0  }
0x38: {  	[tilespmem:$0x2AF0] =	vst v0  }
0x39: {  	[spmem:s5] =	stream.linear.scatter [tilespmem:s9], [sflag:$0x1], $0x280, $0x38;
	[tilespmem:$0x2D80] =	vst v63  }
0x3a: {  	_ =	swait.ge [sflag:s8], $0x280  }
0x3b: {  	[sflag:s8] =	ssyncset.done $0x0  }
0x3c: {  	[sflag:s8] =	ssyncadd.s32 $0xFFFFFD80  }
0x3d: {  	[tilespmem:$0x2800] =	vst v1  }
0x3e: {  	[tilespmem:$0x2810] =	vst v1  }
0x3f: {  	[tilespmem:$0x2820] =	vst v1  }
0x40: {  	[tilespmem:$0x2830] =	vst v1  }
0x41: {  	[tilespmem:$0x2840] =	vst v1  }
0x42: {  	[tilespmem:$0x2850] =	vst v1  }
0x43: {  	[tilespmem:$0x2860] =	vst v1  }
0x44: {  	[tilespmem:$0x2870] =	vst v1  }
0x45: {  	s13 =	simm.s32 $0x0;
	[bflag:$0x0] =	sbarrier.arrive $0xFFFF  }
0x46: {  	[spmem:s2] =	stream.indirect.scatter.add.f32 [tilespmem:s11], [sflag:$0x1], $0x1, s13, s10, $0xb8;
	[tilespmem:$0x2D80] =	vst v63  }
0x47: {  	_ =	swait.ge [sflag:s8], $0x80  }
0x48: {  	s13 =	simm.s32 $0x200;
	[sflag:s8] =	ssyncset.done $0x0  }
.LBB2_2:
0x49: {  	s14 =	sshra.s32 s13, $0x2;
	[sflag:s8] =	ssyncadd.s32 $0xFFFFFF80;
	p0 =	sne.s32 s13, $0x9E00  }
0x4a: {  	[spmem:s2] =	stream.indirect.scatter.add.f32 [tilespmem:s11], [sflag:$0x1], $0x1, s14, s10, $0xb8;
	[tilespmem:$0x2D80] =	vst v63  }
.Ltmp0:
0x4b: {  	_ = 	snop;
	(pc) =	sbr.rel @p0 .LBB2_2-.Ltmp0, $4  }
0x4c: {  	_ = 	snop  }
0x4d: {  	s13 =	sadd.s32 $0x200, s13  }
0x4e: {  	_ =	swait.ge [sflag:s8], $0x80  }
0x4f: {  	[sflag:s8] =	ssyncset.done $0x0  }
0x50: {  	[sflag:s8] =	ssyncadd.s32 $0xFFFFFF80  }
0x51: {  	[bflag:$0x0] =	sbarrier.arrive $0xFFFF  }
0x52: {  	[tilespmem:s9], [sflag:$0x1] =	stream.linear.gather [spmem:s5], $0x280, $0x38;
	[tilespmem:$0x2D80] =	vst v63  }
0x53: {  	s12 =	sadd.s32 $0x1, s12;
	_ =	swait.ge [sflag:s8], $0x280  }
0x54: {  	p0 =	sne.s32 s12, s6;
	[sflag:s8] =	ssyncset.done $0x0  }
.Ltmp1:
0x55: {  	[sflag:s8] =	ssyncadd.s32 $0xFFFFFD80;
	(pc) =	sbr.rel @p0 .LBB2_1-.Ltmp1, $4  }
0x56: {  	[hbm4b:s7+s3] =	stream.linear.scatter [tilespmem:s9], [sflag:$0x1], $0x280, $0x38;
	[tilespmem:$0x2D80] =	vst v63  }
0x57: {  	_ =	swait.ge [sflag:s8], $0x280  }
0x58: {  	[sflag:s8] =	ssyncset.done $0x0  }
0x59: {  	[sflag:s8] =	ssyncadd.s32 $0xFFFFFD80  }
0x5a: {  	_ =	sfence.sel $0x180000  }
0x5b: {  	[bflag:$0x0] =	sbarrier.arrive $0xFFFF  }
0x5c: {  	p0 =	sne.s32 s1, $0x0;
	_ =	strace $0x90000047  }
0x5d: {  	s0 =	sadd.s32 @!p0 $0x100000, s0;
	[bflag:$0x2] =	sbarrier.arrive $0xFFFF  }
0x5e: {  	[sflag:s0] =	ssyncadd.tile.s32 @!p0 $0x1;
	_ =	shalt  }
.Lfunc_end2:
_tile_overlayer_lowered:
.L_overlay_start_2:
0x5f: {  	(tag) =	ssettag $0x2  }
0x60: {  	s0 =	rddreg [dreg:$0x0];
	s2 =	stileid.u32  }
0x61: {  	s1 =	rddreg [dreg:$0x1];
	p0 =	sne.s32 s2, $0x0  }
0x62: {  	s3 =	rddreg [dreg:$0x2];
	[bflag:$0x3] =	sbarrier.arrive $0xFFFF;
	s2 =	simm.s32 @!p0 $0x1C01  }
0x63: {  	[timem:s3], [sflag:s2] =	dma.local @!p0 [hbm:s0], s1  }
0x64: {  	s0 =	simm.s32 @!p0 $0x1  }
0x65: {  	_ =	swait.ge @!p0 [sflag:s0], s1  }
0x66: {  	s1 =	ssub.s32 @!p0 $0x0, s1;
	[sflag:s0] =	ssyncset.done @!p0 $0x0  }
0x67: {  	[sflag:s0] =	ssyncadd.s32 @!p0 s1  }
0x68: {  	[bflag:$0x3] =	sbarrier.arrive $0xFFFF  }
0x69: {  	_ =	shalt  }

</sc_bundles>
